<compile_context>
chip_gen: v7x
topology: tpu7x:2x2x1
jax: 0.10.2.dev20260603
libtpu: 0.0.44.dev20260713+nightly
codegen_flags: <defaults>
</compile_context>

<pallas_src>
import functools

import jax
import jax.numpy as jnp
from jax import lax
from jax.experimental import pallas as pl
from jax.experimental.pallas import tpu as pltpu
from jax.experimental.pallas import tpu_sc as plsc

_K = 8192
_D = 64
_N = 12544
_BM = 896
_NBLK = _N // _BM
_KC = 1024
_NKC = _K // _KC



def _make_enc_body(ci, wp, m, co, relu):
    def body(x_ref, w_ref, b_ref, o_ref):
        pieces = []
        for a in range(4):
            for b in range(4):
                chb = ((a % 2) * 2 + (b % 2)) * ci
                off = (a // 2) * wp + (b // 2)
                pieces.append(x_ref[0, chb:chb + ci, off:off + m])
        pat = jnp.concatenate(pieces, axis=0)
        acc = jnp.dot(w_ref[...], pat, preferred_element_type=jnp.float32)
        acc = acc + b_ref[...]
        if relu:
            acc = jnp.maximum(acc, 0.0)
        o_ref[0] = acc
    return body


def _make_enc_body_t(ci, wp, m, co):
    def body(x_ref, w_ref, b_ref, o_ref):
        pieces = []
        for a in range(4):
            for b in range(4):
                chb = ((a % 2) * 2 + (b % 2)) * ci
                off = (a // 2) * wp + (b // 2)
                pieces.append(x_ref[0, chb:chb + ci, off:off + m])
        pat = jnp.concatenate(pieces, axis=0)
        acc = lax.dot_general(pat, w_ref[...], (((0,), (1,)), ((), ())),
                              preferred_element_type=jnp.float32)
        o_ref[0] = jnp.maximum(acc + b_ref[...], 0.0)
    return body


def _make_s1_body(wp, m, co, relu):
    def body(x_ref, w_ref, b_ref, o_ref):
        pieces = [x_ref[0, :, a * wp + b:a * wp + b + m]
                  for a in range(3) for b in range(3)]
        pat = jnp.concatenate(pieces, axis=0)
        acc = jnp.dot(w_ref[...], pat, preferred_element_type=jnp.float32)
        acc = acc + b_ref[...]
        if relu:
            acc = jnp.maximum(acc, 0.0)
        o_ref[0] = acc
    return body


_TPAIRS = (((1, 1), (3, 0)), ((0, 2), (2, 1)))


def _make_dect_body(wp, m, co, relu):
    def body(x_ref, w_ref, b_ref, o_ref):
        for py in range(2):
            for px in range(2):
                acc = jnp.zeros((co, m), jnp.float32)
                for (a, dy) in _TPAIRS[py]:
                    for (b, dx) in _TPAIRS[px]:
                        off = dy * wp + dx
                        xs = x_ref[0, :, off:off + m]
                        acc = acc + jnp.dot(w_ref[a, b], xs,
                                            preferred_element_type=jnp.float32)
                acc = acc + b_ref[...]
                if relu:
                    acc = jnp.maximum(acc, 0.0)
                o_ref[0, py, px] = acc
    return body


def _tapconv(body, x, w, bias, out_tail):
    n = x.shape[0]
    xt = x.shape[1:]
    zx = (0,) * len(xt)
    zw = (0,) * w.ndim
    zo = (0,) * len(out_tail)
    return pl.pallas_call(
        body,
        grid=(n,),
        in_specs=[
            pl.BlockSpec((1,) + xt, lambda i, _z=zx: (i,) + _z),
            pl.BlockSpec(w.shape, lambda i, _z=zw: _z),
            pl.BlockSpec(bias.shape, lambda i: (0, 0)),
        ],
        out_specs=pl.BlockSpec((1,) + out_tail, lambda i, _z=zo: (i,) + _z),
        out_shape=jax.ShapeDtypeStruct((n,) + out_tail, jnp.float32),
    )(x, w, bias)



def _vq_body(ft_ref, fb_ref, e_ref, ebt_ref, idx_ref, perp_ref, cnt_ref):
    pid = pl.program_id(0)
    ftb = ft_ref[...]
    fb = fb_ref[...]
    t1 = jnp.sum(fb * fb, axis=1, keepdims=True)
    m_run = jnp.full((_BM, 1), jnp.inf, jnp.float32)
    i_run = jnp.zeros((_BM, 1), jnp.int32)
    for c in range(_NKC):
        er = e_ref[c * _KC:(c + 1) * _KC, :]
        ebt = ebt_ref[:, c * _KC:(c + 1) * _KC]
        t2 = jnp.sum(ebt * ebt, axis=0, keepdims=True)
        mm = lax.dot_general(ftb, ebt, (((0,), (0,)), ((), ())),
                             preferred_element_type=jnp.float32)
        d = (t1 + t2) - 2.0 * mm
        mc = jnp.min(d, axis=1, keepdims=True)
        lane = lax.broadcasted_iota(jnp.int32, (_BM, _KC), 1)
        ic = jnp.min(jnp.where(d == mc, lane, jnp.int32(2 ** 30)),
                     axis=1, keepdims=True) + c * _KC
        upd = mc < m_run
        m_run = jnp.where(upd, mc, m_run)
        i_run = jnp.where(upd, ic, i_run)
    idx_ref[...] = i_run
    for c in range(_NKC):
        lane = lax.broadcasted_iota(jnp.int32, (_BM, _KC), 1) + c * _KC
        oh = (i_run == lane).astype(jnp.float32)
        seg = jnp.sum(oh, axis=0, keepdims=True)
        prev = jnp.where(pid == 0, 0.0, cnt_ref[0:1, c * _KC:(c + 1) * _KC])
        cnt_ref[0:1, c * _KC:(c + 1) * _KC] = prev + seg

    @pl.when(pid == _NBLK - 1)
    def _():
        p = cnt_ref[...] * (1.0 / _N)
        ent = jnp.sum(p * jnp.log(p + 1e-10))
        perp_ref[...] = jnp.broadcast_to(jnp.exp(-ent), (1, 1))


def _vq(flat_t, flat_b, emb, emb_bt):
    return pl.pallas_call(
        _vq_body,
        grid=(_NBLK,),
        in_specs=[
            pl.BlockSpec((_D, _BM), lambda i: (0, i)),
            pl.BlockSpec((_BM, _D), lambda i: (i, 0)),
            pl.BlockSpec((_K, _D), lambda i: (0, 0)),
            pl.BlockSpec((_D, _K), lambda i: (0, 0)),
        ],
        out_specs=(
            pl.BlockSpec((_BM, 1), lambda i: (i, 0)),
            pl.BlockSpec((1, 1), lambda i: (0, 0)),
        ),
        out_shape=(
            jax.ShapeDtypeStruct((_N, 1), jnp.int32),
            jax.ShapeDtypeStruct((1, 1), jnp.float32),
        ),
        scratch_shapes=[pltpu.VMEM((1, _K), jnp.float32)],
    )(flat_t, flat_b, emb, emb_bt)



_DP = 128


@functools.lru_cache(maxsize=1)
def _sc_gather_kernel():
    mesh = plsc.VectorSubcoreMesh(core_axis_name="c", subcore_axis_name="s")
    nc, ns = mesh.num_cores, mesh.num_subcores
    bpw = _N // (nc * ns)
    chunk = 56
    assert bpw % chunk == 0
    nch = bpw // chunk

    @functools.partial(
        pl.kernel,
        out_type=jax.ShapeDtypeStruct((_N, _DP), jnp.float32),
        mesh=mesh,
        scratch_types=[
            pltpu.VMEM((bpw,), jnp.int32),
            pltpu.VMEM((bpw, _DP), jnp.float32),
            pltpu.SemaphoreType.DMA,
        ],
    )
    def k(emb_hbm, idx_hbm, out_hbm, idx_v, rows_v, sem):
        wid = lax.axis_index("s") * nc + lax.axis_index("c")
        base = pl.multiple_of(wid * bpw, 8)
        pltpu.sync_copy(idx_hbm.at[pl.ds(base, bpw)], idx_v)
        cps = [
            pltpu.async_copy(
                emb_hbm.at[idx_v.at[pl.ds(j * chunk, chunk)]],
                rows_v.at[pl.ds(j * chunk, chunk)],
                sem,
            )
            for j in range(nch)
        ]
        for cp in cps:
            cp.wait()
        pltpu.sync_copy(rows_v, out_hbm.at[pl.ds(base, bpw)])

    return k


def _gather_rows(emb, idx):
    emb_pad = jnp.pad(emb, ((0, 0), (0, _DP - _D)))
    return _sc_gather_kernel()(emb_pad, idx)[:, :_D]



def _flat_pad(x):
    bn, c, h, w = x.shape
    return jnp.pad(x.reshape(bn, c, h * w), ((0, 0), (0, 0), (0, 8)))


def _pad_hw(x, p):
    return jnp.pad(x, ((0, 0), (0, 0), (p, p), (p, p)))


def _parity_cat(xp):
    bn, c, h2, w2 = xp.shape
    t = xp.reshape(bn, c, h2 // 2, 2, w2 // 2, 2).transpose(0, 3, 5, 1, 2, 4)
    return t.reshape(bn, 4 * c, h2 // 2, w2 // 2)


def _unflat(o, h, wp, w):
    return o.reshape(o.shape[:-1] + (h, wp))[..., :w]


def _merge_parity(o):
    bn, _, _, c, h, _ = o.shape
    t = o.transpose(0, 3, 4, 1, 5, 2)
    return t.reshape(bn, c, 2 * h, 2 * h)


def _im2col_w(w):
    co = w.shape[0]
    return w.transpose(0, 2, 3, 1).reshape(co, -1)



def kernel(x, W_e1, b_e1, W_e2, b_e2, W_pre, b_pre, W_emb,
           W_d0, b_d0, W_d1, b_d1, W_d2, b_d2):
    bn = x.shape[0]

    def rt(a):
        return a.astype(jnp.bfloat16).astype(jnp.float32)

    p1 = _flat_pad(_parity_cat(_pad_hw(rt(x), 1)))
    h1 = _tapconv(_make_enc_body(3, 113, 112 * 113, 16, True),
                  p1, rt(_im2col_w(W_e1)), b_e1.reshape(-1, 1), (16, 112 * 113))
    h1 = _unflat(h1, 112, 113, 112)

    p2 = _flat_pad(_parity_cat(_pad_hw(h1.astype(jnp.bfloat16), 1)))
    h2t = _tapconv(_make_enc_body_t(16, 57, 56 * 57, 32),
                   p2, _im2col_w(W_e2).astype(jnp.bfloat16),
                   b_e2.reshape(1, -1), (56 * 57, 32))
    h2 = h2t.reshape(bn, 56, 57, 32)[:, :, :56, :].transpose(0, 3, 1, 2)

    ze = _tapconv(_make_s1_body(58, 56 * 58, 64, False),
                  _flat_pad(_pad_hw(rt(h2), 1)), rt(_im2col_w(W_pre)),
                  b_pre.reshape(-1, 1), (64, 56 * 58))
    z_e = _unflat(ze, 56, 58, 56).transpose(0, 2, 3, 1)

    flat = z_e.reshape(_N, _D)
    idx2, perp = _vq(rt(flat.T), flat, W_emb, W_emb.T)
    zq_flat = rt(_gather_rows(W_emb, idx2.reshape(_N)))
    z_q = zq_flat.reshape(bn, 56, 56, _D)

    zq_cf = z_q.transpose(0, 3, 1, 2)
    d0 = _tapconv(_make_dect_body(58, 56 * 58, 32, False),
                  _flat_pad(_pad_hw(zq_cf, 1)), W_d0.transpose(2, 3, 1, 0),
                  b_d0.reshape(-1, 1), (2, 2, 32, 56 * 58))
    d0m = _merge_parity(_unflat(d0, 56, 58, 56))

    d1 = _tapconv(_make_dect_body(114, 112 * 114, 16, True),
                  _flat_pad(_pad_hw(d0m, 1)), W_d1.transpose(2, 3, 1, 0),
                  b_d1.reshape(-1, 1), (2, 2, 16, 112 * 114))
    d1m = _merge_parity(_unflat(d1, 112, 114, 112))

    wd2 = jnp.flip(W_d2, (2, 3)).transpose(1, 2, 3, 0).reshape(3, 144)
    d2 = _tapconv(_make_s1_body(226, 224 * 226, 3, False),
                  _flat_pad(_pad_hw(d1m, 1)), wd2,
                  b_d2.reshape(-1, 1), (3, 224 * 226))
    x_recon = _unflat(d2, 224, 226, 224)

    return (x_recon, z_e, z_q, perp.reshape(()))

# --- scband reference (transcript-rebuilt; emitter-appended) ---
"""Pipeline reference for scband-vqvae-12592844112180 (READ-ONLY COPY).

The authoritative reference and input builder live on the scoring server;
editing this copy changes nothing except your own understanding.
"""

import jax, jax.numpy as jnp
import numpy as np

K = 8192
D = 64

def conv2d(x, w, b, stride, pad):
    y = jax.lax.conv_general_dilated(x, w, (stride, stride), ((pad, pad), (pad, pad)), dimension_numbers=('NCHW', 'OIHW', 'NCHW'))
    return y + b[None, :, None, None]

def conv_transpose2d(x, w, b, stride, pad):
    # w in torch ConvTranspose2d layout [in, out, kH, kW]
    kh, kw = w.shape[2], w.shape[3]
    wt = jnp.transpose(jnp.flip(w, (2, 3)), (1, 0, 2, 3))  # [out, in, kH, kW]
    y = jax.lax.conv_general_dilated(x, wt, (1, 1), ((kh - 1 - pad, kh - 1 - pad), (kw - 1 - pad, kw - 1 - pad)), lhs_dilation=(stride, stride), dimension_numbers=('NCHW', 'OIHW', 'NCHW'))
    return y + b[None, :, None, None]

def setup_inputs(seed: int = 0):
    key = jax.random.key(seed)
    ks = jax.random.split(key, 16)
    inp = {}
    inp['x'] = jax.random.normal(ks[0], (4, 3, 224, 224), dtype=jnp.float32)
    # Encoder: Conv2d(3,16,4,2,1) -> ReLU -> Conv2d(16,32,4,2,1) -> ReLU -> pre_vq Conv2d(32,64,3,1,1)
    inp['W_e1'] = jax.random.normal(ks[1], (16, 3, 4, 4), dtype=jnp.float32) * 0.05
    inp['b_e1'] = jnp.zeros((16,), dtype=jnp.float32)
    inp['W_e2'] = jax.random.normal(ks[2], (32, 16, 4, 4), dtype=jnp.float32) * 0.05
    inp['b_e2'] = jnp.zeros((32,), dtype=jnp.float32)
    inp['W_pre'] = jax.random.normal(ks[3], (64, 32, 3, 3), dtype=jnp.float32) * 0.05
    inp['b_pre'] = jnp.zeros((64,), dtype=jnp.float32)
    # Codebook embedding [K, D], init uniform(-1/K, 1/K)
    inp['W_emb'] = jax.random.uniform(ks[4], (K, D), dtype=jnp.float32, minval=-1.0 / K, maxval=1.0 / K)
    # Decoder: post_vq ConvTranspose2d(64,32,4,2,1) -> ConvTranspose2d(32,16,4,2,1) -> ReLU -> ConvTranspose2d(16,3,3,1,1)
    inp['W_d0'] = jax.random.normal(ks[5], (64, 32, 4, 4), dtype=jnp.float32) * 0.05
    inp['b_d0'] = jnp.zeros((32,), dtype=jnp.float32)
    inp['W_d1'] = jax.random.normal(ks[6], (32, 16, 4, 4), dtype=jnp.float32) * 0.05
    inp['b_d1'] = jnp.zeros((16,), dtype=jnp.float32)
    inp['W_d2'] = jax.random.normal(ks[7], (16, 3, 3, 3), dtype=jnp.float32) * 0.05
    inp['b_d2'] = jnp.zeros((3,), dtype=jnp.float32)
    return inp

def reference(x, W_e1, b_e1, W_e2, b_e2, W_pre, b_pre, W_emb, W_d0, b_d0, W_d1, b_d1, W_d2, b_d2):
    # Encoder
    h = jax.nn.relu(conv2d(x, W_e1, b_e1, 2, 1))
    h = jax.nn.relu(conv2d(h, W_e2, b_e2, 2, 1))
    z = conv2d(h, W_pre, b_pre, 1, 1)  # [B, 64, 56, 56]
    # vq_preprocess: NCHW -> NHWC
    z_e = jnp.transpose(z, (0, 2, 3, 1))
    flat = z_e.reshape(-1, D)
    # VectorQuantizer: squared L2 distances to codebook
    distances = jnp.sum(flat ** 2, axis=1, keepdims=True) + jnp.sum(W_emb ** 2, axis=1) - 2.0 * (flat @ W_emb.T)
    encoding_indices = jnp.argmin(distances, axis=1)
    n = flat.shape[0]
    encodings = jnp.zeros((n, K), dtype=flat.dtype).at[jnp.arange(n), encoding_indices].set(1.0)
    z_q = (encodings @ W_emb).reshape(z_e.shape)
    avg_probs = jnp.mean(encodings, axis=0)
    perplexity = jnp.exp(-jnp.sum(avg_probs * jnp.log(avg_probs + 1e-10)))
    # vq_postprocess: straight-through + NHWC -> NCHW
    decoder_input = z_e + jax.lax.stop_gradient(z_q - z_e)
    decoder_input = jnp.transpose(decoder_input, (0, 3, 1, 2))
    # Decoder
    d = conv_transpose2d(decoder_input, W_d0, b_d0, 2, 1)
    d = conv_transpose2d(d, W_d1, b_d1, 2, 1)
    d = jax.nn.relu(d)
    x_recon = conv_transpose2d(d, W_d2, b_d2, 1, 1)
    return (x_recon, z_e, z_q, perplexity)

if __name__ == "__main__":
    import jax
    _d = setup_inputs()
    print(jax.jit(kernel)(*tuple(_d.values())))

</pallas_src>

<mosaic_0001>
#map = affine_map<(d0, d1) -> (0, 0)>
#map1 = affine_map<(d0, d1) -> (0)>
module attributes {stable_mosaic.version = 14 : i64} {
  func.func @k(%arg0: i32, %arg1: i32, %arg2: memref<8192x128xf32, #tpu.memory_space<hbm>>, %arg3: memref<12544xi32, #tpu.memory_space<hbm>>, %arg4: memref<12544x128xf32, #tpu.memory_space<hbm>>, %arg5: memref<392xi32, #tpu.memory_space<vmem>>, %arg6: memref<392x128xf32, #tpu.memory_space<vmem>>, %arg7: memref<!tpu.dma_semaphore, #tpu.memory_space<semaphore_mem>>) attributes {dimension_semantics = [#tpu.dimension_semantics<core_parallel>, #tpu.dimension_semantics<subcore_parallel>], iteration_bounds = array<i64: 2, 16>, scalar_prefetch = 0 : i64, scratch_operands = 3 : i64, tpu.core_type = #tpu.core_type<sc_vector_subcore>, window_params = [{transform_indices = #map}, {transform_indices = #map1}, {transform_indices = #map}]} {
    %mul3A = arith.constant 2 : i32
    %mul3A_0 = arith.muli %arg1, %mul3A : i32
    %add3A = arith.addi %mul3A_0, %arg0 : i32
    %mul3A_1 = arith.constant 392 : i32
    %mul3A_2 = arith.muli %add3A, %mul3A_1 : i32
    %multiple_of3A = tpu.assume_multiple %mul3A_2, 8 : i32
    "tpu.region"() ({
      %run_scoped3A = tpu.sem_alloc : memref<!tpu.dma_semaphore, #tpu.memory_space<semaphore_mem>>
      %dma_start3A_113 = tpu.memref_slice %arg3[%multiple_of3A] : memref<12544xi32, #tpu.memory_space<hbm>> -> memref<392xi32, #tpu.memory_space<hbm>>
      %dma_start3A_114 = tpu.memref_slice %arg3[%multiple_of3A] : memref<12544xi32, #tpu.memory_space<hbm>> -> memref<392xi32, #tpu.memory_space<hbm>>
      tpu.enqueue_dma source(%dma_start3A_114 : memref<392xi32, #tpu.memory_space<hbm>>) target(%arg5 : memref<392xi32, #tpu.memory_space<vmem>>) target_semaphore(%run_scoped3A : memref<!tpu.dma_semaphore, #tpu.memory_space<semaphore_mem>>)
      %dma_wait3A_115 = tpu.memref_slice %arg3[%multiple_of3A] : memref<12544xi32, #tpu.memory_space<hbm>> -> memref<392xi32, #tpu.memory_space<hbm>>
      %dma_wait3A_116 = tpu.memref_slice %arg3[%multiple_of3A] : memref<12544xi32, #tpu.memory_space<hbm>> -> memref<392xi32, #tpu.memory_space<hbm>>
      tpu.wait_dma2 semaphore(%run_scoped3A : memref<!tpu.dma_semaphore, #tpu.memory_space<semaphore_mem>>) src(%dma_wait3A_116 : memref<392xi32, #tpu.memory_space<hbm>>) dst(%arg5 : memref<392xi32, #tpu.memory_space<vmem>>)
      tpu.yield
    }) : () -> ()
    %dma_start3A = arith.constant 0 : i32
    %dma_start3A_3 = arith.constant 0 : i32
    %dma_start3A_4 = tpu.memref_slice %arg6[%dma_start3A, %dma_start3A_3] : memref<392x128xf32, #tpu.memory_space<vmem>> -> memref<56x128xf32, #tpu.memory_space<vmem>>
    %dma_start3A_5 = arith.constant 0 : i32
    %dma_start3A_6 = tpu.memref_slice %arg5[%dma_start3A_5] : memref<392xi32, #tpu.memory_space<vmem>> -> memref<56xi32, #tpu.memory_space<vmem>>
    %dma_start3A_7 = arith.constant 0 : i32
    %dma_start3A_8 = arith.constant 0 : i32
    %dma_start3A_9 = tpu.memref_slice %arg2[%dma_start3A_7, %dma_start3A_8] : memref<8192x128xf32, #tpu.memory_space<hbm>> -> memref<8192x128xf32, #tpu.memory_space<hbm>>
    tpu.enqueue_indirect_dma source(%dma_start3A_9 : memref<8192x128xf32, #tpu.memory_space<hbm>>) target(%dma_start3A_4 : memref<56x128xf32, #tpu.memory_space<vmem>>) offsets(%dma_start3A_6 : memref<56xi32, #tpu.memory_space<vmem>>) semaphore(%arg7 : memref<!tpu.dma_semaphore, #tpu.memory_space<semaphore_mem>>)
    %dma_start3A_10 = arith.constant 56 : i32
    %dma_start3A_11 = arith.constant 0 : i32
    %dma_start3A_12 = tpu.memref_slice %arg6[%dma_start3A_10, %dma_start3A_11] : memref<392x128xf32, #tpu.memory_space<vmem>> -> memref<56x128xf32, #tpu.memory_space<vmem>>
    %dma_start3A_13 = arith.constant 56 : i32
    %dma_start3A_14 = tpu.memref_slice %arg5[%dma_start3A_13] : memref<392xi32, #tpu.memory_space<vmem>> -> memref<56xi32, #tpu.memory_space<vmem>>
    %dma_start3A_15 = arith.constant 0 : i32
    %dma_start3A_16 = arith.constant 0 : i32
    %dma_start3A_17 = tpu.memref_slice %arg2[%dma_start3A_15, %dma_start3A_16] : memref<8192x128xf32, #tpu.memory_space<hbm>> -> memref<8192x128xf32, #tpu.memory_space<hbm>>
    tpu.enqueue_indirect_dma source(%dma_start3A_17 : memref<8192x128xf32, #tpu.memory_space<hbm>>) target(%dma_start3A_12 : memref<56x128xf32, #tpu.memory_space<vmem>>) offsets(%dma_start3A_14 : memref<56xi32, #tpu.memory_space<vmem>>) semaphore(%arg7 : memref<!tpu.dma_semaphore, #tpu.memory_space<semaphore_mem>>)
    %dma_start3A_18 = arith.constant 112 : i32
    %dma_start3A_19 = arith.constant 0 : i32
    %dma_start3A_20 = tpu.memref_slice %arg6[%dma_start3A_18, %dma_start3A_19] : memref<392x128xf32, #tpu.memory_space<vmem>> -> memref<56x128xf32, #tpu.memory_space<vmem>>
    %dma_start3A_21 = arith.constant 112 : i32
    %dma_start3A_22 = tpu.memref_slice %arg5[%dma_start3A_21] : memref<392xi32, #tpu.memory_space<vmem>> -> memref<56xi32, #tpu.memory_space<vmem>>
    %dma_start3A_23 = arith.constant 0 : i32
    %dma_start3A_24 = arith.constant 0 : i32
    %dma_start3A_25 = tpu.memref_slice %arg2[%dma_start3A_23, %dma_start3A_24] : memref<8192x128xf32, #tpu.memory_space<hbm>> -> memref<8192x128xf32, #tpu.memory_space<hbm>>
    tpu.enqueue_indirect_dma source(%dma_start3A_25 : memref<8192x128xf32, #tpu.memory_space<hbm>>) target(%dma_start3A_20 : memref<56x128xf32, #tpu.memory_space<vmem>>) offsets(%dma_start3A_22 : memref<56xi32, #tpu.memory_space<vmem>>) semaphore(%arg7 : memref<!tpu.dma_semaphore, #tpu.memory_space<semaphore_mem>>)
    %dma_start3A_26 = arith.constant 168 : i32
    %dma_start3A_27 = arith.constant 0 : i32
    %dma_start3A_28 = tpu.memref_slice %arg6[%dma_start3A_26, %dma_start3A_27] : memref<392x128xf32, #tpu.memory_space<vmem>> -> memref<56x128xf32, #tpu.memory_space<vmem>>
    %dma_start3A_29 = arith.constant 168 : i32
    %dma_start3A_30 = tpu.memref_slice %arg5[%dma_start3A_29] : memref<392xi32, #tpu.memory_space<vmem>> -> memref<56xi32, #tpu.memory_space<vmem>>
    %dma_start3A_31 = arith.constant 0 : i32
    %dma_start3A_32 = arith.constant 0 : i32
    %dma_start3A_33 = tpu.memref_slice %arg2[%dma_start3A_31, %dma_start3A_32] : memref<8192x128xf32, #tpu.memory_space<hbm>> -> memref<8192x128xf32, #tpu.memory_space<hbm>>
    tpu.enqueue_indirect_dma source(%dma_start3A_33 : memref<8192x128xf32, #tpu.memory_space<hbm>>) target(%dma_start3A_28 : memref<56x128xf32, #tpu.memory_space<vmem>>) offsets(%dma_start3A_30 : memref<56xi32, #tpu.memory_space<vmem>>) semaphore(%arg7 : memref<!tpu.dma_semaphore, #tpu.memory_space<semaphore_mem>>)
    %dma_start3A_34 = arith.constant 224 : i32
    %dma_start3A_35 = arith.constant 0 : i32
    %dma_start3A_36 = tpu.memref_slice %arg6[%dma_start3A_34, %dma_start3A_35] : memref<392x128xf32, #tpu.memory_space<vmem>> -> memref<56x128xf32, #tpu.memory_space<vmem>>
    %dma_start3A_37 = arith.constant 224 : i32
    %dma_start3A_38 = tpu.memref_slice %arg5[%dma_start3A_37] : memref<392xi32, #tpu.memory_space<vmem>> -> memref<56xi32, #tpu.memory_space<vmem>>
    %dma_start3A_39 = arith.constant 0 : i32
    %dma_start3A_40 = arith.constant 0 : i32
    %dma_start3A_41 = tpu.memref_slice %arg2[%dma_start3A_39, %dma_start3A_40] : memref<8192x128xf32, #tpu.memory_space<hbm>> -> memref<8192x128xf32, #tpu.memory_space<hbm>>
    tpu.enqueue_indirect_dma source(%dma_start3A_41 : memref<8192x128xf32, #tpu.memory_space<hbm>>) target(%dma_start3A_36 : memref<56x128xf32, #tpu.memory_space<vmem>>) offsets(%dma_start3A_38 : memref<56xi32, #tpu.memory_space<vmem>>) semaphore(%arg7 : memref<!tpu.dma_semaphore, #tpu.memory_space<semaphore_mem>>)
    %dma_start3A_42 = arith.constant 280 : i32
    %dma_start3A_43 = arith.constant 0 : i32
    %dma_start3A_44 = tpu.memref_slice %arg6[%dma_start3A_42, %dma_start3A_43] : memref<392x128xf32, #tpu.memory_space<vmem>> -> memref<56x128xf32, #tpu.memory_space<vmem>>
    %dma_start3A_45 = arith.constant 280 : i32
    %dma_start3A_46 = tpu.memref_slice %arg5[%dma_start3A_45] : memref<392xi32, #tpu.memory_space<vmem>> -> memref<56xi32, #tpu.memory_space<vmem>>
    %dma_start3A_47 = arith.constant 0 : i32
    %dma_start3A_48 = arith.constant 0 : i32
    %dma_start3A_49 = tpu.memref_slice %arg2[%dma_start3A_47, %dma_start3A_48] : memref<8192x128xf32, #tpu.memory_space<hbm>> -> memref<8192x128xf32, #tpu.memory_space<hbm>>
    tpu.enqueue_indirect_dma source(%dma_start3A_49 : memref<8192x128xf32, #tpu.memory_space<hbm>>) target(%dma_start3A_44 : memref<56x128xf32, #tpu.memory_space<vmem>>) offsets(%dma_start3A_46 : memref<56xi32, #tpu.memory_space<vmem>>) semaphore(%arg7 : memref<!tpu.dma_semaphore, #tpu.memory_space<semaphore_mem>>)
    %dma_start3A_50 = arith.constant 336 : i32
    %dma_start3A_51 = arith.constant 0 : i32
    %dma_start3A_52 = tpu.memref_slice %arg6[%dma_start3A_50, %dma_start3A_51] : memref<392x128xf32, #tpu.memory_space<vmem>> -> memref<56x128xf32, #tpu.memory_space<vmem>>
    %dma_start3A_53 = arith.constant 336 : i32
    %dma_start3A_54 = tpu.memref_slice %arg5[%dma_start3A_53] : memref<392xi32, #tpu.memory_space<vmem>> -> memref<56xi32, #tpu.memory_space<vmem>>
    %dma_start3A_55 = arith.constant 0 : i32
    %dma_start3A_56 = arith.constant 0 : i32
    %dma_start3A_57 = tpu.memref_slice %arg2[%dma_start3A_55, %dma_start3A_56] : memref<8192x128xf32, #tpu.memory_space<hbm>> -> memref<8192x128xf32, #tpu.memory_space<hbm>>
    tpu.enqueue_indirect_dma source(%dma_start3A_57 : memref<8192x128xf32, #tpu.memory_space<hbm>>) target(%dma_start3A_52 : memref<56x128xf32, #tpu.memory_space<vmem>>) offsets(%dma_start3A_54 : memref<56xi32, #tpu.memory_space<vmem>>) semaphore(%arg7 : memref<!tpu.dma_semaphore, #tpu.memory_space<semaphore_mem>>)
    %dma_wait3A = arith.constant 0 : i32
    %dma_wait3A_58 = arith.constant 0 : i32
    %dma_wait3A_59 = tpu.memref_slice %arg6[%dma_wait3A, %dma_wait3A_58] : memref<392x128xf32, #tpu.memory_space<vmem>> -> memref<56x128xf32, #tpu.memory_space<vmem>>
    %dma_wait3A_60 = arith.constant 0 : i32
    %dma_wait3A_61 = tpu.memref_slice %arg5[%dma_wait3A_60] : memref<392xi32, #tpu.memory_space<vmem>> -> memref<56xi32, #tpu.memory_space<vmem>>
    %dma_wait3A_62 = arith.constant 0 : i32
    %dma_wait3A_63 = arith.constant 0 : i32
    %dma_wait3A_64 = tpu.memref_slice %arg2[%dma_wait3A_62, %dma_wait3A_63] : memref<8192x128xf32, #tpu.memory_space<hbm>> -> memref<8192x128xf32, #tpu.memory_space<hbm>>
    tpu.wait_indirect_dma semaphore(%arg7 : memref<!tpu.dma_semaphore, #tpu.memory_space<semaphore_mem>>) src(%dma_wait3A_64 : memref<8192x128xf32, #tpu.memory_space<hbm>>) dst(%dma_wait3A_59 : memref<56x128xf32, #tpu.memory_space<vmem>>)
    %dma_wait3A_65 = arith.constant 56 : i32
    %dma_wait3A_66 = arith.constant 0 : i32
    %dma_wait3A_67 = tpu.memref_slice %arg6[%dma_wait3A_65, %dma_wait3A_66] : memref<392x128xf32, #tpu.memory_space<vmem>> -> memref<56x128xf32, #tpu.memory_space<vmem>>
    %dma_wait3A_68 = arith.constant 56 : i32
    %dma_wait3A_69 = tpu.memref_slice %arg5[%dma_wait3A_68] : memref<392xi32, #tpu.memory_space<vmem>> -> memref<56xi32, #tpu.memory_space<vmem>>
    %dma_wait3A_70 = arith.constant 0 : i32
    %dma_wait3A_71 = arith.constant 0 : i32
    %dma_wait3A_72 = tpu.memref_slice %arg2[%dma_wait3A_70, %dma_wait3A_71] : memref<8192x128xf32, #tpu.memory_space<hbm>> -> memref<8192x128xf32, #tpu.memory_space<hbm>>
    tpu.wait_indirect_dma semaphore(%arg7 : memref<!tpu.dma_semaphore, #tpu.memory_space<semaphore_mem>>) src(%dma_wait3A_72 : memref<8192x128xf32, #tpu.memory_space<hbm>>) dst(%dma_wait3A_67 : memref<56x128xf32, #tpu.memory_space<vmem>>)
    %dma_wait3A_73 = arith.constant 112 : i32
    %dma_wait3A_74 = arith.constant 0 : i32
    %dma_wait3A_75 = tpu.memref_slice %arg6[%dma_wait3A_73, %dma_wait3A_74] : memref<392x128xf32, #tpu.memory_space<vmem>> -> memref<56x128xf32, #tpu.memory_space<vmem>>
    %dma_wait3A_76 = arith.constant 112 : i32
    %dma_wait3A_77 = tpu.memref_slice %arg5[%dma_wait3A_76] : memref<392xi32, #tpu.memory_space<vmem>> -> memref<56xi32, #tpu.memory_space<vmem>>
    %dma_wait3A_78 = arith.constant 0 : i32
    %dma_wait3A_79 = arith.constant 0 : i32
    %dma_wait3A_80 = tpu.memref_slice %arg2[%dma_wait3A_78, %dma_wait3A_79] : memref<8192x128xf32, #tpu.memory_space<hbm>> -> memref<8192x128xf32, #tpu.memory_space<hbm>>
    tpu.wait_indirect_dma semaphore(%arg7 : memref<!tpu.dma_semaphore, #tpu.memory_space<semaphore_mem>>) src(%dma_wait3A_80 : memref<8192x128xf32, #tpu.memory_space<hbm>>) dst(%dma_wait3A_75 : memref<56x128xf32, #tpu.memory_space<vmem>>)
    %dma_wait3A_81 = arith.constant 168 : i32
    %dma_wait3A_82 = arith.constant 0 : i32
    %dma_wait3A_83 = tpu.memref_slice %arg6[%dma_wait3A_81, %dma_wait3A_82] : memref<392x128xf32, #tpu.memory_space<vmem>> -> memref<56x128xf32, #tpu.memory_space<vmem>>
    %dma_wait3A_84 = arith.constant 168 : i32
    %dma_wait3A_85 = tpu.memref_slice %arg5[%dma_wait3A_84] : memref<392xi32, #tpu.memory_space<vmem>> -> memref<56xi32, #tpu.memory_space<vmem>>
    %dma_wait3A_86 = arith.constant 0 : i32
    %dma_wait3A_87 = arith.constant 0 : i32
    %dma_wait3A_88 = tpu.memref_slice %arg2[%dma_wait3A_86, %dma_wait3A_87] : memref<8192x128xf32, #tpu.memory_space<hbm>> -> memref<8192x128xf32, #tpu.memory_space<hbm>>
    tpu.wait_indirect_dma semaphore(%arg7 : memref<!tpu.dma_semaphore, #tpu.memory_space<semaphore_mem>>) src(%dma_wait3A_88 : memref<8192x128xf32, #tpu.memory_space<hbm>>) dst(%dma_wait3A_83 : memref<56x128xf32, #tpu.memory_space<vmem>>)
    %dma_wait3A_89 = arith.constant 224 : i32
    %dma_wait3A_90 = arith.constant 0 : i32
    %dma_wait3A_91 = tpu.memref_slice %arg6[%dma_wait3A_89, %dma_wait3A_90] : memref<392x128xf32, #tpu.memory_space<vmem>> -> memref<56x128xf32, #tpu.memory_space<vmem>>
    %dma_wait3A_92 = arith.constant 224 : i32
    %dma_wait3A_93 = tpu.memref_slice %arg5[%dma_wait3A_92] : memref<392xi32, #tpu.memory_space<vmem>> -> memref<56xi32, #tpu.memory_space<vmem>>
    %dma_wait3A_94 = arith.constant 0 : i32
    %dma_wait3A_95 = arith.constant 0 : i32
    %dma_wait3A_96 = tpu.memref_slice %arg2[%dma_wait3A_94, %dma_wait3A_95] : memref<8192x128xf32, #tpu.memory_space<hbm>> -> memref<8192x128xf32, #tpu.memory_space<hbm>>
    tpu.wait_indirect_dma semaphore(%arg7 : memref<!tpu.dma_semaphore, #tpu.memory_space<semaphore_mem>>) src(%dma_wait3A_96 : memref<8192x128xf32, #tpu.memory_space<hbm>>) dst(%dma_wait3A_91 : memref<56x128xf32, #tpu.memory_space<vmem>>)
    %dma_wait3A_97 = arith.constant 280 : i32
    %dma_wait3A_98 = arith.constant 0 : i32
    %dma_wait3A_99 = tpu.memref_slice %arg6[%dma_wait3A_97, %dma_wait3A_98] : memref<392x128xf32, #tpu.memory_space<vmem>> -> memref<56x128xf32, #tpu.memory_space<vmem>>
    %dma_wait3A_100 = arith.constant 280 : i32
    %dma_wait3A_101 = tpu.memref_slice %arg5[%dma_wait3A_100] : memref<392xi32, #tpu.memory_space<vmem>> -> memref<56xi32, #tpu.memory_space<vmem>>
    %dma_wait3A_102 = arith.constant 0 : i32
    %dma_wait3A_103 = arith.constant 0 : i32
    %dma_wait3A_104 = tpu.memref_slice %arg2[%dma_wait3A_102, %dma_wait3A_103] : memref<8192x128xf32, #tpu.memory_space<hbm>> -> memref<8192x128xf32, #tpu.memory_space<hbm>>
    tpu.wait_indirect_dma semaphore(%arg7 : memref<!tpu.dma_semaphore, #tpu.memory_space<semaphore_mem>>) src(%dma_wait3A_104 : memref<8192x128xf32, #tpu.memory_space<hbm>>) dst(%dma_wait3A_99 : memref<56x128xf32, #tpu.memory_space<vmem>>)
    %dma_wait3A_105 = arith.constant 336 : i32
    %dma_wait3A_106 = arith.constant 0 : i32
    %dma_wait3A_107 = tpu.memref_slice %arg6[%dma_wait3A_105, %dma_wait3A_106] : memref<392x128xf32, #tpu.memory_space<vmem>> -> memref<56x128xf32, #tpu.memory_space<vmem>>
    %dma_wait3A_108 = arith.constant 336 : i32
    %dma_wait3A_109 = tpu.memref_slice %arg5[%dma_wait3A_108] : memref<392xi32, #tpu.memory_space<vmem>> -> memref<56xi32, #tpu.memory_space<vmem>>
    %dma_wait3A_110 = arith.constant 0 : i32
    %dma_wait3A_111 = arith.constant 0 : i32
    %dma_wait3A_112 = tpu.memref_slice %arg2[%dma_wait3A_110, %dma_wait3A_111] : memref<8192x128xf32, #tpu.memory_space<hbm>> -> memref<8192x128xf32, #tpu.memory_space<hbm>>
    tpu.wait_indirect_dma semaphore(%arg7 : memref<!tpu.dma_semaphore, #tpu.memory_space<semaphore_mem>>) src(%dma_wait3A_112 : memref<8192x128xf32, #tpu.memory_space<hbm>>) dst(%dma_wait3A_107 : memref<56x128xf32, #tpu.memory_space<vmem>>)
    "tpu.region"() ({
      %run_scoped3A = tpu.sem_alloc : memref<!tpu.dma_semaphore, #tpu.memory_space<semaphore_mem>>
      %dma_start3A_113 = arith.constant 0 : i32
      %dma_start3A_114 = tpu.memref_slice %arg4[%multiple_of3A, %dma_start3A_113] : memref<12544x128xf32, #tpu.memory_space<hbm>> -> memref<392x128xf32, #tpu.memory_space<hbm>>
      %dma_start3A_115 = arith.constant 0 : i32
      %dma_start3A_116 = tpu.memref_slice %arg4[%multiple_of3A, %dma_start3A_115] : memref<12544x128xf32, #tpu.memory_space<hbm>> -> memref<392x128xf32, #tpu.memory_space<hbm>>
      tpu.enqueue_dma source(%arg6 : memref<392x128xf32, #tpu.memory_space<vmem>>) target(%dma_start3A_116 : memref<392x128xf32, #tpu.memory_space<hbm>>) target_semaphore(%run_scoped3A : memref<!tpu.dma_semaphore, #tpu.memory_space<semaphore_mem>>)
      %dma_wait3A_117 = arith.constant 0 : i32
      %dma_wait3A_118 = tpu.memref_slice %arg4[%multiple_of3A, %dma_wait3A_117] : memref<12544x128xf32, #tpu.memory_space<hbm>> -> memref<392x128xf32, #tpu.memory_space<hbm>>
      %dma_wait3A_119 = arith.constant 0 : i32
      %dma_wait3A_120 = tpu.memref_slice %arg4[%multiple_of3A, %dma_wait3A_119] : memref<12544x128xf32, #tpu.memory_space<hbm>> -> memref<392x128xf32, #tpu.memory_space<hbm>>
      tpu.wait_dma2 semaphore(%run_scoped3A : memref<!tpu.dma_semaphore, #tpu.memory_space<semaphore_mem>>) src(%arg6 : memref<392x128xf32, #tpu.memory_space<vmem>>) dst(%dma_wait3A_120 : memref<392x128xf32, #tpu.memory_space<hbm>>)
      tpu.yield
    }) : () -> ()
    return
  }
}

module attributes {stable_mosaic.version = 14 : i64} {
  func.func @body(%arg0: i32, %arg1: memref<1x12x12777xf32, #tpu.memory_space<vmem>>, %arg2: memref<16x48xf32, #tpu.memory_space<vmem>>, %arg3: memref<16x1xf32, #tpu.memory_space<vmem>>, %arg4: memref<1x16x12656xf32, #tpu.memory_space<vmem>>) attributes {dimension_semantics = [#tpu.dimension_semantics<arbitrary>], iteration_bounds = array<i64: 4>, scalar_prefetch = 0 : i64, scratch_operands = 0 : i64, tpu.core_type = #tpu.core_type<tc>, window_params = [{transform_indices = @transform_0, window_bounds = array<i64: 1, 12, 12777>}, {pipeline_mode = #tpu.pipeline_mode<synchronous>, transform_indices = @transform_1, window_bounds = array<i64: 16, 48>}, {pipeline_mode = #tpu.pipeline_mode<synchronous>, transform_indices = @transform_2, window_bounds = array<i64: 16, 1>}, {transform_indices = @transform_3, window_bounds = array<i64: 1, 16, 12656>}]} {
    %get3A = arith.constant 0 : index
    %get3A_0 = arith.constant 0 : index
    %get3A_1 = arith.constant 0 : index
    %get3A_2 = vector.load %arg1[%get3A, %get3A_0, %get3A_1] : memref<1x12x12777xf32, #tpu.memory_space<vmem>>, vector<1x3x12656xf32>
    %get3A_3 = vector.shape_cast %get3A_2 : vector<1x3x12656xf32> to vector<3x12656xf32>
    %get3A_4 = arith.constant 0 : index
    %get3A_5 = arith.constant 3 : index
    %get3A_6 = arith.constant 0 : index
    %get3A_7 = vector.load %arg1[%get3A_4, %get3A_5, %get3A_6] : memref<1x12x12777xf32, #tpu.memory_space<vmem>>, vector<1x3x12656xf32>
    %get3A_8 = vector.shape_cast %get3A_7 : vector<1x3x12656xf32> to vector<3x12656xf32>
    %get3A_9 = arith.constant 0 : index
    %get3A_10 = arith.constant 0 : index
    %get3A_11 = arith.constant 1 : index
    %get3A_12 = vector.load %arg1[%get3A_9, %get3A_10, %get3A_11] : memref<1x12x12777xf32, #tpu.memory_space<vmem>>, vector<1x3x12656xf32>
    %get3A_13 = vector.shape_cast %get3A_12 : vector<1x3x12656xf32> to vector<3x12656xf32>
    %get3A_14 = arith.constant 0 : index
    %get3A_15 = arith.constant 3 : index
    %get3A_16 = arith.constant 1 : index
    %get3A_17 = vector.load %arg1[%get3A_14, %get3A_15, %get3A_16] : memref<1x12x12777xf32, #tpu.memory_space<vmem>>, vector<1x3x12656xf32>
    %get3A_18 = vector.shape_cast %get3A_17 : vector<1x3x12656xf32> to vector<3x12656xf32>
    %get3A_19 = arith.constant 0 : index
    %get3A_20 = arith.constant 6 : index
    %get3A_21 = arith.constant 0 : index
    %get3A_22 = vector.load %arg1[%get3A_19, %get3A_20, %get3A_21] : memref<1x12x12777xf32, #tpu.memory_space<vmem>>, vector<1x3x12656xf32>
    %get3A_23 = vector.shape_cast %get3A_22 : vector<1x3x12656xf32> to vector<3x12656xf32>
    %get3A_24 = arith.constant 0 : index
    %get3A_25 = arith.constant 9 : index
    %get3A_26 = arith.constant 0 : index
    %get3A_27 = vector.load %arg1[%get3A_24, %get3A_25, %get3A_26] : memref<1x12x12777xf32, #tpu.memory_space<vmem>>, vector<1x3x12656xf32>
    %get3A_28 = vector.shape_cast %get3A_27 : vector<1x3x12656xf32> to vector<3x12656xf32>
    %get3A_29 = arith.constant 0 : index
    %get3A_30 = arith.constant 6 : index
    %get3A_31 = arith.constant 1 : index
    %get3A_32 = vector.load %arg1[%get3A_29, %get3A_30, %get3A_31] : memref<1x12x12777xf32, #tpu.memory_space<vmem>>, vector<1x3x12656xf32>
    %get3A_33 = vector.shape_cast %get3A_32 : vector<1x3x12656xf32> to vector<3x12656xf32>
    %get3A_34 = arith.constant 0 : index
    %get3A_35 = arith.constant 9 : index
    %get3A_36 = arith.constant 1 : index
    %get3A_37 = vector.load %arg1[%get3A_34, %get3A_35, %get3A_36] : memref<1x12x12777xf32, #tpu.memory_space<vmem>>, vector<1x3x12656xf32>
    %get3A_38 = vector.shape_cast %get3A_37 : vector<1x3x12656xf32> to vector<3x12656xf32>
    %get3A_39 = arith.constant 0 : index
    %get3A_40 = arith.constant 0 : index
    %get3A_41 = arith.constant 113 : index
    %get3A_42 = vector.load %arg1[%get3A_39, %get3A_40, %get3A_41] : memref<1x12x12777xf32, #tpu.memory_space<vmem>>, vector<1x3x12656xf32>
    %get3A_43 = vector.shape_cast %get3A_42 : vector<1x3x12656xf32> to vector<3x12656xf32>
    %get3A_44 = arith.constant 0 : index
    %get3A_45 = arith.constant 3 : index
    %get3A_46 = arith.constant 113 : index
    %get3A_47 = vector.load %arg1[%get3A_44, %get3A_45, %get3A_46] : memref<1x12x12777xf32, #tpu.memory_space<vmem>>, vector<1x3x12656xf32>
    %get3A_48 = vector.shape_cast %get3A_47 : vector<1x3x12656xf32> to vector<3x12656xf32>
    %get3A_49 = arith.constant 0 : index
    %get3A_50 = arith.constant 0 : index
    %get3A_51 = arith.constant 114 : index
    %get3A_52 = vector.load %arg1[%get3A_49, %get3A_50, %get3A_51] : memref<1x12x12777xf32, #tpu.memory_space<vmem>>, vector<1x3x12656xf32>
    %get3A_53 = vector.shape_cast %get3A_52 : vector<1x3x12656xf32> to vector<3x12656xf32>
    %get3A_54 = arith.constant 0 : index
    %get3A_55 = arith.constant 3 : index
    %get3A_56 = arith.constant 114 : index
    %get3A_57 = vector.load %arg1[%get3A_54, %get3A_55, %get3A_56] : memref<1x12x12777xf32, #tpu.memory_space<vmem>>, vector<1x3x12656xf32>
    %get3A_58 = vector.shape_cast %get3A_57 : vector<1x3x12656xf32> to vector<3x12656xf32>
    %get3A_59 = arith.constant 0 : index
    %get3A_60 = arith.constant 6 : index
    %get3A_61 = arith.constant 113 : index
    %get3A_62 = vector.load %arg1[%get3A_59, %get3A_60, %get3A_61] : memref<1x12x12777xf32, #tpu.memory_space<vmem>>, vector<1x3x12656xf32>
    %get3A_63 = vector.shape_cast %get3A_62 : vector<1x3x12656xf32> to vector<3x12656xf32>
    %get3A_64 = arith.constant 0 : index
    %get3A_65 = arith.constant 9 : index
    %get3A_66 = arith.constant 113 : index
    %get3A_67 = vector.load %arg1[%get3A_64, %get3A_65, %get3A_66] : memref<1x12x12777xf32, #tpu.memory_space<vmem>>, vector<1x3x12656xf32>
    %get3A_68 = vector.shape_cast %get3A_67 : vector<1x3x12656xf32> to vector<3x12656xf32>
    %get3A_69 = arith.constant 0 : index
    %get3A_70 = arith.constant 6 : index
    %get3A_71 = arith.constant 114 : index
    %get3A_72 = vector.load %arg1[%get3A_69, %get3A_70, %get3A_71] : memref<1x12x12777xf32, #tpu.memory_space<vmem>>, vector<1x3x12656xf32>
    %get3A_73 = vector.shape_cast %get3A_72 : vector<1x3x12656xf32> to vector<3x12656xf32>
    %get3A_74 = arith.constant 0 : index
    %get3A_75 = arith.constant 9 : index
    %get3A_76 = arith.constant 114 : index
    %get3A_77 = vector.load %arg1[%get3A_74, %get3A_75, %get3A_76] : memref<1x12x12777xf32, #tpu.memory_space<vmem>>, vector<1x3x12656xf32>
    %get3A_78 = vector.shape_cast %get3A_77 : vector<1x3x12656xf32> to vector<3x12656xf32>
    %concatenate3A = tpu.concatenate %get3A_3, %get3A_8, %get3A_13, %get3A_18, %get3A_23, %get3A_28, %get3A_33, %get3A_38, %get3A_43, %get3A_48, %get3A_53, %get3A_58, %get3A_63, %get3A_68, %get3A_73, %get3A_78 in 0 : vector<3x12656xf32>, vector<3x12656xf32>, vector<3x12656xf32>, vector<3x12656xf32>, vector<3x12656xf32>, vector<3x12656xf32>, vector<3x12656xf32>, vector<3x12656xf32>, vector<3x12656xf32>, vector<3x12656xf32>, vector<3x12656xf32>, vector<3x12656xf32>, vector<3x12656xf32>, vector<3x12656xf32>, vector<3x12656xf32>, vector<3x12656xf32> -> vector<48x12656xf32>
    %get3A_79 = arith.constant 0 : index
    %get3A_80 = arith.constant 0 : index
    %get3A_81 = vector.load %arg2[%get3A_79, %get3A_80] : memref<16x48xf32, #tpu.memory_space<vmem>>, vector<16x48xf32>
    %dot_general3A = arith.constant dense<0.000000e+00> : vector<16x12656xf32>
    %dot_general3A_82 = tpu.matmul %get3A_81, %concatenate3A, %dot_general3A {dimension_numbers = #tpu.dot_dimension_numbers<[1], [0], [0], [1], [0, 0, 1, 1], [], []>, transpose_lhs_hint = false} : vector<16x48xf32>, vector<48x12656xf32>, vector<16x12656xf32> -> vector<16x12656xf32>
    %get3A_83 = arith.constant 0 : index
    %get3A_84 = arith.constant 0 : index
    %get3A_85 = vector.load %arg3[%get3A_83, %get3A_84] : memref<16x1xf32, #tpu.memory_space<vmem>>, vector<16x1xf32>
    %add3A = vector.broadcast %get3A_85 : vector<16x1xf32> to vector<16x12656xf32>
    %add3A_86 = arith.addf %dot_general3A_82, %add3A : vector<16x12656xf32>
    %max3A = arith.constant 0.000000e+00 : f32
    %max3A_87 = vector.broadcast %max3A : f32 to vector<16x12656xf32>
    %max3A_88 = arith.maximumf %add3A_86, %max3A_87 : vector<16x12656xf32>
    %swap3A = arith.constant 0 : index
    %swap3A_89 = arith.constant 0 : index
    %swap3A_90 = arith.constant 0 : index
    %swap3A_91 = vector.load %arg4[%swap3A, %swap3A_89, %swap3A_90] : memref<1x16x12656xf32, #tpu.memory_space<vmem>>, vector<1x16x12656xf32>
    %swap3A_92 = vector.shape_cast %swap3A_91 : vector<1x16x12656xf32> to vector<16x12656xf32>
    %swap3A_93 = vector.shape_cast %max3A_88 : vector<16x12656xf32> to vector<1x16x12656xf32>
    tpu.vector_store %arg4[%swap3A, %swap3A_89, %swap3A_90], %swap3A_93 {strides = array<i32>} : memref<1x16x12656xf32, #tpu.memory_space<vmem>>, vector<1x16x12656xf32>,
    return
  }
  func.func @transform_0(%arg0: i32) -> (i32, i32, i32) {
    %c0_i32 = arith.constant 0 : i32
    %c0_i32_0 = arith.constant 0 : i32
    %c0_i32_1 = arith.constant 0 : i32
    return %arg0, %c0_i32, %c0_i32_0 : i32, i32, i32
  }
  func.func @transform_1(%arg0: i32) -> (i32, i32) {
    %c0_i32 = arith.constant 0 : i32
    %c0_i32_0 = arith.constant 0 : i32
    %c0_i32_1 = arith.constant 0 : i32
    return %c0_i32, %c0_i32_0 : i32, i32
  }
  func.func @transform_2(%arg0: i32) -> (i32, i32) {
    %c0_i32 = arith.constant 0 : i32
    %c0_i32_0 = arith.constant 0 : i32
    %c0_i32_1 = arith.constant 0 : i32
    return %c0_i32, %c0_i32_0 : i32, i32
  }
  func.func @transform_3(%arg0: i32) -> (i32, i32, i32) {
    %c0_i32 = arith.constant 0 : i32
    %c0_i32_0 = arith.constant 0 : i32
    %c0_i32_1 = arith.constant 0 : i32
    return %arg0, %c0_i32, %c0_i32_0 : i32, i32, i32
  }
}

module attributes {stable_mosaic.version = 14 : i64} {
  func.func @body(%arg0: i32, %arg1: memref<1x64x3257xbf16, #tpu.memory_space<vmem>>, %arg2: memref<32x256xbf16, #tpu.memory_space<vmem>>, %arg3: memref<1x32xf32, #tpu.memory_space<vmem>>, %arg4: memref<1x3192x32xf32, #tpu.memory_space<vmem>>) attributes {dimension_semantics = [#tpu.dimension_semantics<arbitrary>], iteration_bounds = array<i64: 4>, scalar_prefetch = 0 : i64, scratch_operands = 0 : i64, tpu.core_type = #tpu.core_type<tc>, window_params = [{transform_indices = @transform_0, window_bounds = array<i64: 1, 64, 3257>}, {pipeline_mode = #tpu.pipeline_mode<synchronous>, transform_indices = @transform_1, window_bounds = array<i64: 32, 256>}, {pipeline_mode = #tpu.pipeline_mode<synchronous>, transform_indices = @transform_2, window_bounds = array<i64: 1, 32>}, {transform_indices = @transform_3, window_bounds = array<i64: 1, 3192, 32>}]} {
    %get3A = arith.constant 0 : index
    %get3A_0 = arith.constant 0 : index
    %get3A_1 = arith.constant 0 : index
    %get3A_2 = vector.load %arg1[%get3A, %get3A_0, %get3A_1] : memref<1x64x3257xbf16, #tpu.memory_space<vmem>>, vector<1x16x3192xbf16>
    %get3A_3 = vector.shape_cast %get3A_2 : vector<1x16x3192xbf16> to vector<16x3192xbf16>
    %get3A_4 = arith.constant 0 : index
    %get3A_5 = arith.constant 16 : index
    %get3A_6 = arith.constant 0 : index
    %get3A_7 = vector.load %arg1[%get3A_4, %get3A_5, %get3A_6] : memref<1x64x3257xbf16, #tpu.memory_space<vmem>>, vector<1x16x3192xbf16>
    %get3A_8 = vector.shape_cast %get3A_7 : vector<1x16x3192xbf16> to vector<16x3192xbf16>
    %get3A_9 = arith.constant 0 : index
    %get3A_10 = arith.constant 0 : index
    %get3A_11 = arith.constant 1 : index
    %get3A_12 = vector.load %arg1[%get3A_9, %get3A_10, %get3A_11] : memref<1x64x3257xbf16, #tpu.memory_space<vmem>>, vector<1x16x3192xbf16>
    %get3A_13 = vector.shape_cast %get3A_12 : vector<1x16x3192xbf16> to vector<16x3192xbf16>
    %get3A_14 = arith.constant 0 : index
    %get3A_15 = arith.constant 16 : index
    %get3A_16 = arith.constant 1 : index
    %get3A_17 = vector.load %arg1[%get3A_14, %get3A_15, %get3A_16] : memref<1x64x3257xbf16, #tpu.memory_space<vmem>>, vector<1x16x3192xbf16>
    %get3A_18 = vector.shape_cast %get3A_17 : vector<1x16x3192xbf16> to vector<16x3192xbf16>
    %get3A_19 = arith.constant 0 : index
    %get3A_20 = arith.constant 32 : index
    %get3A_21 = arith.constant 0 : index
    %get3A_22 = vector.load %arg1[%get3A_19, %get3A_20, %get3A_21] : memref<1x64x3257xbf16, #tpu.memory_space<vmem>>, vector<1x16x3192xbf16>
    %get3A_23 = vector.shape_cast %get3A_22 : vector<1x16x3192xbf16> to vector<16x3192xbf16>
    %get3A_24 = arith.constant 0 : index
    %get3A_25 = arith.constant 48 : index
    %get3A_26 = arith.constant 0 : index
    %get3A_27 = vector.load %arg1[%get3A_24, %get3A_25, %get3A_26] : memref<1x64x3257xbf16, #tpu.memory_space<vmem>>, vector<1x16x3192xbf16>
    %get3A_28 = vector.shape_cast %get3A_27 : vector<1x16x3192xbf16> to vector<16x3192xbf16>
    %get3A_29 = arith.constant 0 : index
    %get3A_30 = arith.constant 32 : index
    %get3A_31 = arith.constant 1 : index
    %get3A_32 = vector.load %arg1[%get3A_29, %get3A_30, %get3A_31] : memref<1x64x3257xbf16, #tpu.memory_space<vmem>>, vector<1x16x3192xbf16>
    %get3A_33 = vector.shape_cast %get3A_32 : vector<1x16x3192xbf16> to vector<16x3192xbf16>
    %get3A_34 = arith.constant 0 : index
    %get3A_35 = arith.constant 48 : index
    %get3A_36 = arith.constant 1 : index
    %get3A_37 = vector.load %arg1[%get3A_34, %get3A_35, %get3A_36] : memref<1x64x3257xbf16, #tpu.memory_space<vmem>>, vector<1x16x3192xbf16>
    %get3A_38 = vector.shape_cast %get3A_37 : vector<1x16x3192xbf16> to vector<16x3192xbf16>
    %get3A_39 = arith.constant 0 : index
    %get3A_40 = arith.constant 0 : index
    %get3A_41 = arith.constant 57 : index
    %get3A_42 = vector.load %arg1[%get3A_39, %get3A_40, %get3A_41] : memref<1x64x3257xbf16, #tpu.memory_space<vmem>>, vector<1x16x3192xbf16>
    %get3A_43 = vector.shape_cast %get3A_42 : vector<1x16x3192xbf16> to vector<16x3192xbf16>
    %get3A_44 = arith.constant 0 : index
    %get3A_45 = arith.constant 16 : index
    %get3A_46 = arith.constant 57 : index
    %get3A_47 = vector.load %arg1[%get3A_44, %get3A_45, %get3A_46] : memref<1x64x3257xbf16, #tpu.memory_space<vmem>>, vector<1x16x3192xbf16>
    %get3A_48 = vector.shape_cast %get3A_47 : vector<1x16x3192xbf16> to vector<16x3192xbf16>
    %get3A_49 = arith.constant 0 : index
    %get3A_50 = arith.constant 0 : index
    %get3A_51 = arith.constant 58 : index
    %get3A_52 = vector.load %arg1[%get3A_49, %get3A_50, %get3A_51] : memref<1x64x3257xbf16, #tpu.memory_space<vmem>>, vector<1x16x3192xbf16>
    %get3A_53 = vector.shape_cast %get3A_52 : vector<1x16x3192xbf16> to vector<16x3192xbf16>
    %get3A_54 = arith.constant 0 : index
    %get3A_55 = arith.constant 16 : index
    %get3A_56 = arith.constant 58 : index
    %get3A_57 = vector.load %arg1[%get3A_54, %get3A_55, %get3A_56] : memref<1x64x3257xbf16, #tpu.memory_space<vmem>>, vector<1x16x3192xbf16>
    %get3A_58 = vector.shape_cast %get3A_57 : vector<1x16x3192xbf16> to vector<16x3192xbf16>
    %get3A_59 = arith.constant 0 : index
    %get3A_60 = arith.constant 32 : index
    %get3A_61 = arith.constant 57 : index
    %get3A_62 = vector.load %arg1[%get3A_59, %get3A_60, %get3A_61] : memref<1x64x3257xbf16, #tpu.memory_space<vmem>>, vector<1x16x3192xbf16>
    %get3A_63 = vector.shape_cast %get3A_62 : vector<1x16x3192xbf16> to vector<16x3192xbf16>
    %get3A_64 = arith.constant 0 : index
    %get3A_65 = arith.constant 48 : index
    %get3A_66 = arith.constant 57 : index
    %get3A_67 = vector.load %arg1[%get3A_64, %get3A_65, %get3A_66] : memref<1x64x3257xbf16, #tpu.memory_space<vmem>>, vector<1x16x3192xbf16>
    %get3A_68 = vector.shape_cast %get3A_67 : vector<1x16x3192xbf16> to vector<16x3192xbf16>
    %get3A_69 = arith.constant 0 : index
    %get3A_70 = arith.constant 32 : index
    %get3A_71 = arith.constant 58 : index
    %get3A_72 = vector.load %arg1[%get3A_69, %get3A_70, %get3A_71] : memref<1x64x3257xbf16, #tpu.memory_space<vmem>>, vector<1x16x3192xbf16>
    %get3A_73 = vector.shape_cast %get3A_72 : vector<1x16x3192xbf16> to vector<16x3192xbf16>
    %get3A_74 = arith.constant 0 : index
    %get3A_75 = arith.constant 48 : index
    %get3A_76 = arith.constant 58 : index
    %get3A_77 = vector.load %arg1[%get3A_74, %get3A_75, %get3A_76] : memref<1x64x3257xbf16, #tpu.memory_space<vmem>>, vector<1x16x3192xbf16>
    %get3A_78 = vector.shape_cast %get3A_77 : vector<1x16x3192xbf16> to vector<16x3192xbf16>
    %concatenate3A = tpu.concatenate %get3A_3, %get3A_8, %get3A_13, %get3A_18, %get3A_23, %get3A_28, %get3A_33, %get3A_38, %get3A_43, %get3A_48, %get3A_53, %get3A_58, %get3A_63, %get3A_68, %get3A_73, %get3A_78 in 0 : vector<16x3192xbf16>, vector<16x3192xbf16>, vector<16x3192xbf16>, vector<16x3192xbf16>, vector<16x3192xbf16>, vector<16x3192xbf16>, vector<16x3192xbf16>, vector<16x3192xbf16>, vector<16x3192xbf16>, vector<16x3192xbf16>, vector<16x3192xbf16>, vector<16x3192xbf16>, vector<16x3192xbf16>, vector<16x3192xbf16>, vector<16x3192xbf16>, vector<16x3192xbf16> -> vector<256x3192xbf16>
    %get3A_79 = arith.constant 0 : index
    %get3A_80 = arith.constant 0 : index
    %get3A_81 = vector.load %arg2[%get3A_79, %get3A_80] : memref<32x256xbf16, #tpu.memory_space<vmem>>, vector<32x256xbf16>
    %dot_general3A = arith.constant dense<0.000000e+00> : vector<3192x32xf32>
    %dot_general3A_82 = tpu.matmul %concatenate3A, %get3A_81, %dot_general3A {dimension_numbers = #tpu.dot_dimension_numbers<[0], [1], [1], [0], [0, 1, 1, 0], [], []>, transpose_lhs_hint = false} : vector<256x3192xbf16>, vector<32x256xbf16>, vector<3192x32xf32> -> vector<3192x32xf32>
    %get3A_83 = arith.constant 0 : index
    %get3A_84 = arith.constant 0 : index
    %get3A_85 = vector.load %arg3[%get3A_83, %get3A_84] : memref<1x32xf32, #tpu.memory_space<vmem>>, vector<1x32xf32>
    %add3A = vector.broadcast %get3A_85 : vector<1x32xf32> to vector<3192x32xf32>
    %add3A_86 = arith.addf %dot_general3A_82, %add3A : vector<3192x32xf32>
    %max3A = arith.constant 0.000000e+00 : f32
    %max3A_87 = vector.broadcast %max3A : f32 to vector<3192x32xf32>
    %max3A_88 = arith.maximumf %add3A_86, %max3A_87 : vector<3192x32xf32>
    %swap3A = arith.constant 0 : index
    %swap3A_89 = arith.constant 0 : index
    %swap3A_90 = arith.constant 0 : index
    %swap3A_91 = vector.load %arg4[%swap3A, %swap3A_89, %swap3A_90] : memref<1x3192x32xf32, #tpu.memory_space<vmem>>, vector<1x3192x32xf32>
    %swap3A_92 = vector.shape_cast %swap3A_91 : vector<1x3192x32xf32> to vector<3192x32xf32>
    %swap3A_93 = vector.shape_cast %max3A_88 : vector<3192x32xf32> to vector<1x3192x32xf32>
    tpu.vector_store %arg4[%swap3A, %swap3A_89, %swap3A_90], %swap3A_93 {strides = array<i32>} : memref<1x3192x32xf32, #tpu.memory_space<vmem>>, vector<1x3192x32xf32>,
    return
  }
  func.func @transform_0(%arg0: i32) -> (i32, i32, i32) {
    %c0_i32 = arith.constant 0 : i32
    %c0_i32_0 = arith.constant 0 : i32
    %c0_i32_1 = arith.constant 0 : i32
    return %arg0, %c0_i32, %c0_i32_0 : i32, i32, i32
  }
  func.func @transform_1(%arg0: i32) -> (i32, i32) {
    %c0_i32 = arith.constant 0 : i32
    %c0_i32_0 = arith.constant 0 : i32
    %c0_i32_1 = arith.constant 0 : i32
    return %c0_i32, %c0_i32_0 : i32, i32
  }
  func.func @transform_2(%arg0: i32) -> (i32, i32) {
    %c0_i32 = arith.constant 0 : i32
    %c0_i32_0 = arith.constant 0 : i32
    %c0_i32_1 = arith.constant 0 : i32
    return %c0_i32, %c0_i32_0 : i32, i32
  }
  func.func @transform_3(%arg0: i32) -> (i32, i32, i32) {
    %c0_i32 = arith.constant 0 : i32
    %c0_i32_0 = arith.constant 0 : i32
    %c0_i32_1 = arith.constant 0 : i32
    return %arg0, %c0_i32, %c0_i32_0 : i32, i32, i32
  }
}

module attributes {stable_mosaic.version = 14 : i64} {
  func.func @body(%arg0: i32, %arg1: memref<1x32x3372xf32, #tpu.memory_space<vmem>>, %arg2: memref<64x288xf32, #tpu.memory_space<vmem>>, %arg3: memref<64x1xf32, #tpu.memory_space<vmem>>, %arg4: memref<1x64x3248xf32, #tpu.memory_space<vmem>>) attributes {dimension_semantics = [#tpu.dimension_semantics<arbitrary>], iteration_bounds = array<i64: 4>, scalar_prefetch = 0 : i64, scratch_operands = 0 : i64, tpu.core_type = #tpu.core_type<tc>, window_params = [{transform_indices = @transform_0, window_bounds = array<i64: 1, 32, 3372>}, {pipeline_mode = #tpu.pipeline_mode<synchronous>, transform_indices = @transform_1, window_bounds = array<i64: 64, 288>}, {pipeline_mode = #tpu.pipeline_mode<synchronous>, transform_indices = @transform_2, window_bounds = array<i64: 64, 1>}, {transform_indices = @transform_3, window_bounds = array<i64: 1, 64, 3248>}]} {
    %get3A = arith.constant 0 : index
    %get3A_0 = arith.constant 0 : index
    %get3A_1 = arith.constant 0 : index
    %get3A_2 = vector.load %arg1[%get3A, %get3A_0, %get3A_1] : memref<1x32x3372xf32, #tpu.memory_space<vmem>>, vector<1x32x3248xf32>
    %get3A_3 = vector.shape_cast %get3A_2 : vector<1x32x3248xf32> to vector<32x3248xf32>
    %get3A_4 = arith.constant 0 : index
    %get3A_5 = arith.constant 0 : index
    %get3A_6 = arith.constant 1 : index
    %get3A_7 = vector.load %arg1[%get3A_4, %get3A_5, %get3A_6] : memref<1x32x3372xf32, #tpu.memory_space<vmem>>, vector<1x32x3248xf32>
    %get3A_8 = vector.shape_cast %get3A_7 : vector<1x32x3248xf32> to vector<32x3248xf32>
    %get3A_9 = arith.constant 0 : index
    %get3A_10 = arith.constant 0 : index
    %get3A_11 = arith.constant 2 : index
    %get3A_12 = vector.load %arg1[%get3A_9, %get3A_10, %get3A_11] : memref<1x32x3372xf32, #tpu.memory_space<vmem>>, vector<1x32x3248xf32>
    %get3A_13 = vector.shape_cast %get3A_12 : vector<1x32x3248xf32> to vector<32x3248xf32>
    %get3A_14 = arith.constant 0 : index
    %get3A_15 = arith.constant 0 : index
    %get3A_16 = arith.constant 58 : index
    %get3A_17 = vector.load %arg1[%get3A_14, %get3A_15, %get3A_16] : memref<1x32x3372xf32, #tpu.memory_space<vmem>>, vector<1x32x3248xf32>
    %get3A_18 = vector.shape_cast %get3A_17 : vector<1x32x3248xf32> to vector<32x3248xf32>
    %get3A_19 = arith.constant 0 : index
    %get3A_20 = arith.constant 0 : index
    %get3A_21 = arith.constant 59 : index
    %get3A_22 = vector.load %arg1[%get3A_19, %get3A_20, %get3A_21] : memref<1x32x3372xf32, #tpu.memory_space<vmem>>, vector<1x32x3248xf32>
    %get3A_23 = vector.shape_cast %get3A_22 : vector<1x32x3248xf32> to vector<32x3248xf32>
    %get3A_24 = arith.constant 0 : index
    %get3A_25 = arith.constant 0 : index
    %get3A_26 = arith.constant 60 : index
    %get3A_27 = vector.load %arg1[%get3A_24, %get3A_25, %get3A_26] : memref<1x32x3372xf32, #tpu.memory_space<vmem>>, vector<1x32x3248xf32>
    %get3A_28 = vector.shape_cast %get3A_27 : vector<1x32x3248xf32> to vector<32x3248xf32>
    %get3A_29 = arith.constant 0 : index
    %get3A_30 = arith.constant 0 : index
    %get3A_31 = arith.constant 116 : index
    %get3A_32 = vector.load %arg1[%get3A_29, %get3A_30, %get3A_31] : memref<1x32x3372xf32, #tpu.memory_space<vmem>>, vector<1x32x3248xf32>
    %get3A_33 = vector.shape_cast %get3A_32 : vector<1x32x3248xf32> to vector<32x3248xf32>
    %get3A_34 = arith.constant 0 : index
    %get3A_35 = arith.constant 0 : index
    %get3A_36 = arith.constant 117 : index
    %get3A_37 = vector.load %arg1[%get3A_34, %get3A_35, %get3A_36] : memref<1x32x3372xf32, #tpu.memory_space<vmem>>, vector<1x32x3248xf32>
    %get3A_38 = vector.shape_cast %get3A_37 : vector<1x32x3248xf32> to vector<32x3248xf32>
    %get3A_39 = arith.constant 0 : index
    %get3A_40 = arith.constant 0 : index
    %get3A_41 = arith.constant 118 : index
    %get3A_42 = vector.load %arg1[%get3A_39, %get3A_40, %get3A_41] : memref<1x32x3372xf32, #tpu.memory_space<vmem>>, vector<1x32x3248xf32>
    %get3A_43 = vector.shape_cast %get3A_42 : vector<1x32x3248xf32> to vector<32x3248xf32>
    %concatenate3A = tpu.concatenate %get3A_3, %get3A_8, %get3A_13, %get3A_18, %get3A_23, %get3A_28, %get3A_33, %get3A_38, %get3A_43 in 0 : vector<32x3248xf32>, vector<32x3248xf32>, vector<32x3248xf32>, vector<32x3248xf32>, vector<32x3248xf32>, vector<32x3248xf32>, vector<32x3248xf32>, vector<32x3248xf32>, vector<32x3248xf32> -> vector<288x3248xf32>
    %get3A_44 = arith.constant 0 : index
    %get3A_45 = arith.constant 0 : index
    %get3A_46 = vector.load %arg2[%get3A_44, %get3A_45] : memref<64x288xf32, #tpu.memory_space<vmem>>, vector<64x288xf32>
    %dot_general3A = arith.constant dense<0.000000e+00> : vector<64x3248xf32>
    %dot_general3A_47 = tpu.matmul %get3A_46, %concatenate3A, %dot_general3A {dimension_numbers = #tpu.dot_dimension_numbers<[1], [0], [0], [1], [0, 0, 1, 1], [], []>, transpose_lhs_hint = false} : vector<64x288xf32>, vector<288x3248xf32>, vector<64x3248xf32> -> vector<64x3248xf32>
    %get3A_48 = arith.constant 0 : index
    %get3A_49 = arith.constant 0 : index
    %get3A_50 = vector.load %arg3[%get3A_48, %get3A_49] : memref<64x1xf32, #tpu.memory_space<vmem>>, vector<64x1xf32>
    %add3A = vector.broadcast %get3A_50 : vector<64x1xf32> to vector<64x3248xf32>
    %add3A_51 = arith.addf %dot_general3A_47, %add3A : vector<64x3248xf32>
    %swap3A = arith.constant 0 : index
    %swap3A_52 = arith.constant 0 : index
    %swap3A_53 = arith.constant 0 : index
    %swap3A_54 = vector.load %arg4[%swap3A, %swap3A_52, %swap3A_53] : memref<1x64x3248xf32, #tpu.memory_space<vmem>>, vector<1x64x3248xf32>
    %swap3A_55 = vector.shape_cast %swap3A_54 : vector<1x64x3248xf32> to vector<64x3248xf32>
    %swap3A_56 = vector.shape_cast %add3A_51 : vector<64x3248xf32> to vector<1x64x3248xf32>
    tpu.vector_store %arg4[%swap3A, %swap3A_52, %swap3A_53], %swap3A_56 {strides = array<i32>} : memref<1x64x3248xf32, #tpu.memory_space<vmem>>, vector<1x64x3248xf32>,
    return
  }
  func.func @transform_0(%arg0: i32) -> (i32, i32, i32) {
    %c0_i32 = arith.constant 0 : i32
    %c0_i32_0 = arith.constant 0 : i32
    %c0_i32_1 = arith.constant 0 : i32
    return %arg0, %c0_i32, %c0_i32_0 : i32, i32, i32
  }
  func.func @transform_1(%arg0: i32) -> (i32, i32) {
    %c0_i32 = arith.constant 0 : i32
    %c0_i32_0 = arith.constant 0 : i32
    %c0_i32_1 = arith.constant 0 : i32
    return %c0_i32, %c0_i32_0 : i32, i32
  }
  func.func @transform_2(%arg0: i32) -> (i32, i32) {
    %c0_i32 = arith.constant 0 : i32
    %c0_i32_0 = arith.constant 0 : i32
    %c0_i32_1 = arith.constant 0 : i32
    return %c0_i32, %c0_i32_0 : i32, i32
  }
  func.func @transform_3(%arg0: i32) -> (i32, i32, i32) {
    %c0_i32 = arith.constant 0 : i32
    %c0_i32_0 = arith.constant 0 : i32
    %c0_i32_1 = arith.constant 0 : i32
    return %arg0, %c0_i32, %c0_i32_0 : i32, i32, i32
  }
}

module attributes {stable_mosaic.version = 14 : i64} {
  func.func @_vq_body(%arg0: i32, %arg1: memref<64x896xf32, #tpu.memory_space<vmem>>, %arg2: memref<896x64xf32, #tpu.memory_space<vmem>>, %arg3: memref<8192x64xf32, #tpu.memory_space<vmem>>, %arg4: memref<64x8192xf32, #tpu.memory_space<vmem>>, %arg5: memref<896x1xi32, #tpu.memory_space<vmem>>, %arg6: memref<1x1xf32, #tpu.memory_space<vmem>>, %arg7: memref<1x8192xf32, #tpu.memory_space<vmem>>) attributes {dimension_semantics = [#tpu.dimension_semantics<arbitrary>], iteration_bounds = array<i64: 14>, scalar_prefetch = 0 : i64, scratch_operands = 1 : i64, tpu.core_type = #tpu.core_type<tc>, window_params = [{transform_indices = @transform_0, window_bounds = array<i64: 64, 896>}, {transform_indices = @transform_1, window_bounds = array<i64: 896, 64>}, {pipeline_mode = #tpu.pipeline_mode<synchronous>, transform_indices = @transform_2, window_bounds = array<i64: 8192, 64>}, {pipeline_mode = #tpu.pipeline_mode<synchronous>, transform_indices = @transform_3, window_bounds = array<i64: 64, 8192>}, {transform_indices = @transform_4, window_bounds = array<i64: 896, 1>}, {pipeline_mode = #tpu.pipeline_mode<synchronous>, transform_indices = @transform_5, window_bounds = array<i64: 1, 1>}]} {
    %get3A = arith.constant 0 : index
    %get3A_0 = arith.constant 0 : index
    %get3A_1 = vector.load %arg1[%get3A, %get3A_0] : memref<64x896xf32, #tpu.memory_space<vmem>>, vector<64x896xf32>
    %get3A_2 = arith.constant 0 : index
    %get3A_3 = arith.constant 0 : index
    %get3A_4 = vector.load %arg2[%get3A_2, %get3A_3] : memref<896x64xf32, #tpu.memory_space<vmem>>, vector<896x64xf32>
    %mul3A = arith.mulf %get3A_4, %get3A_4 : vector<896x64xf32>
    %reduce_sum3A = arith.constant dense<0.000000e+00> : vector<896xf32>
    %reduce_sum3A_5 = vector.multi_reduction <add>, %mul3A, %reduce_sum3A [1] : vector<896x64xf32> to vector<896xf32>
    %broadcast_in_dim3A = vector.shape_cast %reduce_sum3A_5 : vector<896xf32> to vector<896x1xf32>
    %broadcast_in_dim3A_6 = arith.constant 0x7F800000 : f32
    %broadcast_in_dim3A_7 = vector.broadcast %broadcast_in_dim3A_6 : f32 to vector<896x1xf32>
    %broadcast_in_dim3A_8 = arith.constant 0 : i32
    %broadcast_in_dim3A_9 = vector.broadcast %broadcast_in_dim3A_8 : i32 to vector<896x1xi32>
    %get3A_10 = arith.constant 0 : index
    %get3A_11 = arith.constant 0 : index
    %get3A_12 = vector.load %arg4[%get3A_10, %get3A_11] : memref<64x8192xf32, #tpu.memory_space<vmem>>, vector<64x1024xf32>
    %mul3A_13 = arith.mulf %get3A_12, %get3A_12 : vector<64x1024xf32>
    %reduce_sum3A_14 = arith.constant dense<0.000000e+00> : vector<1024xf32>
    %reduce_sum3A_15 = vector.multi_reduction <add>, %mul3A_13, %reduce_sum3A_14 [0] : vector<64x1024xf32> to vector<1024xf32>
    %broadcast_in_dim3A_16 = vector.shape_cast %reduce_sum3A_15 : vector<1024xf32> to vector<1x1024xf32>
    %dot_general3A = arith.constant dense<0.000000e+00> : vector<896x1024xf32>
    %dot_general3A_17 = tpu.matmul %get3A_1, %get3A_12, %dot_general3A {dimension_numbers = #tpu.dot_dimension_numbers<[0], [0], [1], [1], [0, 1, 1, 1], [], []>, transpose_lhs_hint = false} : vector<64x896xf32>, vector<64x1024xf32>, vector<896x1024xf32> -> vector<896x1024xf32>
    %add3A = vector.broadcast %broadcast_in_dim3A : vector<896x1xf32> to vector<896x1024xf32>
    %add3A_18 = vector.broadcast %broadcast_in_dim3A_16 : vector<1x1024xf32> to vector<896x1024xf32>
    %add3A_19 = arith.addf %add3A, %add3A_18 : vector<896x1024xf32>
    %mul3A_20 = arith.constant 2.000000e+00 : f32
    %mul3A_21 = vector.broadcast %mul3A_20 : f32 to vector<896x1024xf32>
    %mul3A_22 = arith.mulf %mul3A_21, %dot_general3A_17 : vector<896x1024xf32>
    %sub3A = arith.subf %add3A_19, %mul3A_22 : vector<896x1024xf32>
    %reduce_min3A = arith.constant dense<0x7F800000> : vector<896xf32>
    %reduce_min3A_23 = vector.multi_reduction <minimumf>, %sub3A, %reduce_min3A [1] : vector<896x1024xf32> to vector<896xf32>
    %broadcast_in_dim3A_24 = vector.shape_cast %reduce_min3A_23 : vector<896xf32> to vector<896x1xf32>
    %iota3A = tpu.iota {dimensions = array<i32: 1>} : vector<896x1024xi32>
    %eq3A = vector.broadcast %broadcast_in_dim3A_24 : vector<896x1xf32> to vector<896x1024xf32>
    %eq3A_25 = arith.cmpf oeq, %sub3A, %eq3A : vector<896x1024xf32>
    %jit3A = arith.constant 1073741824 : i32
    %broadcast_in_dim3A_26 = vector.broadcast %jit3A : i32 to vector<896x1024xi32>
    %select_n3A = arith.select %eq3A_25, %iota3A, %broadcast_in_dim3A_26 : vector<896x1024xi1>, vector<896x1024xi32>
    %reduce_min3A_27 = arith.constant dense<2147483647> : vector<896xi32>
    %reduce_min3A_28 = vector.multi_reduction <minsi>, %select_n3A, %reduce_min3A_27 [1] : vector<896x1024xi32> to vector<896xi32>
    %broadcast_in_dim3A_29 = vector.shape_cast %reduce_min3A_28 : vector<896xi32> to vector<896x1xi32>
    %add3A_30 = arith.constant 0 : i32
    %add3A_31 = vector.broadcast %add3A_30 : i32 to vector<896x1xi32>
    %add3A_32 = arith.addi %broadcast_in_dim3A_29, %add3A_31 : vector<896x1xi32>
    %lt3A = arith.cmpf olt, %broadcast_in_dim3A_24, %broadcast_in_dim3A_7 : vector<896x1xf32>
    %select_n3A_33 = arith.select %lt3A, %broadcast_in_dim3A_24, %broadcast_in_dim3A_7 : vector<896x1xi1>, vector<896x1xf32>
    %select_n3A_34 = arith.select %lt3A, %add3A_32, %broadcast_in_dim3A_9 : vector<896x1xi1>, vector<896x1xi32>
    %get3A_35 = arith.constant 0 : index
    %get3A_36 = arith.constant 1024 : index
    %get3A_37 = vector.load %arg4[%get3A_35, %get3A_36] : memref<64x8192xf32, #tpu.memory_space<vmem>>, vector<64x1024xf32>
    %mul3A_38 = arith.mulf %get3A_37, %get3A_37 : vector<64x1024xf32>
    %reduce_sum3A_39 = arith.constant dense<0.000000e+00> : vector<1024xf32>
    %reduce_sum3A_40 = vector.multi_reduction <add>, %mul3A_38, %reduce_sum3A_39 [0] : vector<64x1024xf32> to vector<1024xf32>
    %broadcast_in_dim3A_41 = vector.shape_cast %reduce_sum3A_40 : vector<1024xf32> to vector<1x1024xf32>
    %dot_general3A_42 = arith.constant dense<0.000000e+00> : vector<896x1024xf32>
    %dot_general3A_43 = tpu.matmul %get3A_1, %get3A_37, %dot_general3A_42 {dimension_numbers = #tpu.dot_dimension_numbers<[0], [0], [1], [1], [0, 1, 1, 1], [], []>, transpose_lhs_hint = false} : vector<64x896xf32>, vector<64x1024xf32>, vector<896x1024xf32> -> vector<896x1024xf32>
    %add3A_44 = vector.broadcast %broadcast_in_dim3A : vector<896x1xf32> to vector<896x1024xf32>
    %add3A_45 = vector.broadcast %broadcast_in_dim3A_41 : vector<1x1024xf32> to vector<896x1024xf32>
    %add3A_46 = arith.addf %add3A_44, %add3A_45 : vector<896x1024xf32>
    %mul3A_47 = arith.constant 2.000000e+00 : f32
    %mul3A_48 = vector.broadcast %mul3A_47 : f32 to vector<896x1024xf32>
    %mul3A_49 = arith.mulf %mul3A_48, %dot_general3A_43 : vector<896x1024xf32>
    %sub3A_50 = arith.subf %add3A_46, %mul3A_49 : vector<896x1024xf32>
    %reduce_min3A_51 = arith.constant dense<0x7F800000> : vector<896xf32>
    %reduce_min3A_52 = vector.multi_reduction <minimumf>, %sub3A_50, %reduce_min3A_51 [1] : vector<896x1024xf32> to vector<896xf32>
    %broadcast_in_dim3A_53 = vector.shape_cast %reduce_min3A_52 : vector<896xf32> to vector<896x1xf32>
    %iota3A_54 = tpu.iota {dimensions = array<i32: 1>} : vector<896x1024xi32>
    %eq3A_55 = vector.broadcast %broadcast_in_dim3A_53 : vector<896x1xf32> to vector<896x1024xf32>
    %eq3A_56 = arith.cmpf oeq, %sub3A_50, %eq3A_55 : vector<896x1024xf32>
    %jit3A_57 = arith.constant 1073741824 : i32
    %broadcast_in_dim3A_58 = vector.broadcast %jit3A_57 : i32 to vector<896x1024xi32>
    %select_n3A_59 = arith.select %eq3A_56, %iota3A_54, %broadcast_in_dim3A_58 : vector<896x1024xi1>, vector<896x1024xi32>
    %reduce_min3A_60 = arith.constant dense<2147483647> : vector<896xi32>
    %reduce_min3A_61 = vector.multi_reduction <minsi>, %select_n3A_59, %reduce_min3A_60 [1] : vector<896x1024xi32> to vector<896xi32>
    %broadcast_in_dim3A_62 = vector.shape_cast %reduce_min3A_61 : vector<896xi32> to vector<896x1xi32>
    %add3A_63 = arith.constant 1024 : i32
    %add3A_64 = vector.broadcast %add3A_63 : i32 to vector<896x1xi32>
    %add3A_65 = arith.addi %broadcast_in_dim3A_62, %add3A_64 : vector<896x1xi32>
    %lt3A_66 = arith.cmpf olt, %broadcast_in_dim3A_53, %select_n3A_33 : vector<896x1xf32>
    %select_n3A_67 = arith.select %lt3A_66, %broadcast_in_dim3A_53, %select_n3A_33 : vector<896x1xi1>, vector<896x1xf32>
    %select_n3A_68 = arith.select %lt3A_66, %add3A_65, %select_n3A_34 : vector<896x1xi1>, vector<896x1xi32>
    %get3A_69 = arith.constant 0 : index
    %get3A_70 = arith.constant 2048 : index
    %get3A_71 = vector.load %arg4[%get3A_69, %get3A_70] : memref<64x8192xf32, #tpu.memory_space<vmem>>, vector<64x1024xf32>
    %mul3A_72 = arith.mulf %get3A_71, %get3A_71 : vector<64x1024xf32>
    %reduce_sum3A_73 = arith.constant dense<0.000000e+00> : vector<1024xf32>
    %reduce_sum3A_74 = vector.multi_reduction <add>, %mul3A_72, %reduce_sum3A_73 [0] : vector<64x1024xf32> to vector<1024xf32>
    %broadcast_in_dim3A_75 = vector.shape_cast %reduce_sum3A_74 : vector<1024xf32> to vector<1x1024xf32>
    %dot_general3A_76 = arith.constant dense<0.000000e+00> : vector<896x1024xf32>
    %dot_general3A_77 = tpu.matmul %get3A_1, %get3A_71, %dot_general3A_76 {dimension_numbers = #tpu.dot_dimension_numbers<[0], [0], [1], [1], [0, 1, 1, 1], [], []>, transpose_lhs_hint = false} : vector<64x896xf32>, vector<64x1024xf32>, vector<896x1024xf32> -> vector<896x1024xf32>
    %add3A_78 = vector.broadcast %broadcast_in_dim3A : vector<896x1xf32> to vector<896x1024xf32>
    %add3A_79 = vector.broadcast %broadcast_in_dim3A_75 : vector<1x1024xf32> to vector<896x1024xf32>
    %add3A_80 = arith.addf %add3A_78, %add3A_79 : vector<896x1024xf32>
    %mul3A_81 = arith.constant 2.000000e+00 : f32
    %mul3A_82 = vector.broadcast %mul3A_81 : f32 to vector<896x1024xf32>
    %mul3A_83 = arith.mulf %mul3A_82, %dot_general3A_77 : vector<896x1024xf32>
    %sub3A_84 = arith.subf %add3A_80, %mul3A_83 : vector<896x1024xf32>
    %reduce_min3A_85 = arith.constant dense<0x7F800000> : vector<896xf32>
    %reduce_min3A_86 = vector.multi_reduction <minimumf>, %sub3A_84, %reduce_min3A_85 [1] : vector<896x1024xf32> to vector<896xf32>
    %broadcast_in_dim3A_87 = vector.shape_cast %reduce_min3A_86 : vector<896xf32> to vector<896x1xf32>
    %iota3A_88 = tpu.iota {dimensions = array<i32: 1>} : vector<896x1024xi32>
    %eq3A_89 = vector.broadcast %broadcast_in_dim3A_87 : vector<896x1xf32> to vector<896x1024xf32>
    %eq3A_90 = arith.cmpf oeq, %sub3A_84, %eq3A_89 : vector<896x1024xf32>
    %jit3A_91 = arith.constant 1073741824 : i32
    %broadcast_in_dim3A_92 = vector.broadcast %jit3A_91 : i32 to vector<896x1024xi32>
    %select_n3A_93 = arith.select %eq3A_90, %iota3A_88, %broadcast_in_dim3A_92 : vector<896x1024xi1>, vector<896x1024xi32>
    %reduce_min3A_94 = arith.constant dense<2147483647> : vector<896xi32>
    %reduce_min3A_95 = vector.multi_reduction <minsi>, %select_n3A_93, %reduce_min3A_94 [1] : vector<896x1024xi32> to vector<896xi32>
    %broadcast_in_dim3A_96 = vector.shape_cast %reduce_min3A_95 : vector<896xi32> to vector<896x1xi32>
    %add3A_97 = arith.constant 2048 : i32
    %add3A_98 = vector.broadcast %add3A_97 : i32 to vector<896x1xi32>
    %add3A_99 = arith.addi %broadcast_in_dim3A_96, %add3A_98 : vector<896x1xi32>
    %lt3A_100 = arith.cmpf olt, %broadcast_in_dim3A_87, %select_n3A_67 : vector<896x1xf32>
    %select_n3A_101 = arith.select %lt3A_100, %broadcast_in_dim3A_87, %select_n3A_67 : vector<896x1xi1>, vector<896x1xf32>
    %select_n3A_102 = arith.select %lt3A_100, %add3A_99, %select_n3A_68 : vector<896x1xi1>, vector<896x1xi32>
    %get3A_103 = arith.constant 0 : index
    %get3A_104 = arith.constant 3072 : index
    %get3A_105 = vector.load %arg4[%get3A_103, %get3A_104] : memref<64x8192xf32, #tpu.memory_space<vmem>>, vector<64x1024xf32>
    %mul3A_106 = arith.mulf %get3A_105, %get3A_105 : vector<64x1024xf32>
    %reduce_sum3A_107 = arith.constant dense<0.000000e+00> : vector<1024xf32>
    %reduce_sum3A_108 = vector.multi_reduction <add>, %mul3A_106, %reduce_sum3A_107 [0] : vector<64x1024xf32> to vector<1024xf32>
    %broadcast_in_dim3A_109 = vector.shape_cast %reduce_sum3A_108 : vector<1024xf32> to vector<1x1024xf32>
    %dot_general3A_110 = arith.constant dense<0.000000e+00> : vector<896x1024xf32>
    %dot_general3A_111 = tpu.matmul %get3A_1, %get3A_105, %dot_general3A_110 {dimension_numbers = #tpu.dot_dimension_numbers<[0], [0], [1], [1], [0, 1, 1, 1], [], []>, transpose_lhs_hint = false} : vector<64x896xf32>, vector<64x1024xf32>, vector<896x1024xf32> -> vector<896x1024xf32>
    %add3A_112 = vector.broadcast %broadcast_in_dim3A : vector<896x1xf32> to vector<896x1024xf32>
    %add3A_113 = vector.broadcast %broadcast_in_dim3A_109 : vector<1x1024xf32> to vector<896x1024xf32>
    %add3A_114 = arith.addf %add3A_112, %add3A_113 : vector<896x1024xf32>
    %mul3A_115 = arith.constant 2.000000e+00 : f32
    %mul3A_116 = vector.broadcast %mul3A_115 : f32 to vector<896x1024xf32>
    %mul3A_117 = arith.mulf %mul3A_116, %dot_general3A_111 : vector<896x1024xf32>
    %sub3A_118 = arith.subf %add3A_114, %mul3A_117 : vector<896x1024xf32>
    %reduce_min3A_119 = arith.constant dense<0x7F800000> : vector<896xf32>
    %reduce_min3A_120 = vector.multi_reduction <minimumf>, %sub3A_118, %reduce_min3A_119 [1] : vector<896x1024xf32> to vector<896xf32>
    %broadcast_in_dim3A_121 = vector.shape_cast %reduce_min3A_120 : vector<896xf32> to vector<896x1xf32>
    %iota3A_122 = tpu.iota {dimensions = array<i32: 1>} : vector<896x1024xi32>
    %eq3A_123 = vector.broadcast %broadcast_in_dim3A_121 : vector<896x1xf32> to vector<896x1024xf32>
    %eq3A_124 = arith.cmpf oeq, %sub3A_118, %eq3A_123 : vector<896x1024xf32>
    %jit3A_125 = arith.constant 1073741824 : i32
    %broadcast_in_dim3A_126 = vector.broadcast %jit3A_125 : i32 to vector<896x1024xi32>
    %select_n3A_127 = arith.select %eq3A_124, %iota3A_122, %broadcast_in_dim3A_126 : vector<896x1024xi1>, vector<896x1024xi32>
    %reduce_min3A_128 = arith.constant dense<2147483647> : vector<896xi32>
    %reduce_min3A_129 = vector.multi_reduction <minsi>, %select_n3A_127, %reduce_min3A_128 [1] : vector<896x1024xi32> to vector<896xi32>
    %broadcast_in_dim3A_130 = vector.shape_cast %reduce_min3A_129 : vector<896xi32> to vector<896x1xi32>
    %add3A_131 = arith.constant 3072 : i32
    %add3A_132 = vector.broadcast %add3A_131 : i32 to vector<896x1xi32>
    %add3A_133 = arith.addi %broadcast_in_dim3A_130, %add3A_132 : vector<896x1xi32>
    %lt3A_134 = arith.cmpf olt, %broadcast_in_dim3A_121, %select_n3A_101 : vector<896x1xf32>
    %select_n3A_135 = arith.select %lt3A_134, %broadcast_in_dim3A_121, %select_n3A_101 : vector<896x1xi1>, vector<896x1xf32>
    %select_n3A_136 = arith.select %lt3A_134, %add3A_133, %select_n3A_102 : vector<896x1xi1>, vector<896x1xi32>
    %get3A_137 = arith.constant 0 : index
    %get3A_138 = arith.constant 4096 : index
    %get3A_139 = vector.load %arg4[%get3A_137, %get3A_138] : memref<64x8192xf32, #tpu.memory_space<vmem>>, vector<64x1024xf32>
    %mul3A_140 = arith.mulf %get3A_139, %get3A_139 : vector<64x1024xf32>
    %reduce_sum3A_141 = arith.constant dense<0.000000e+00> : vector<1024xf32>
    %reduce_sum3A_142 = vector.multi_reduction <add>, %mul3A_140, %reduce_sum3A_141 [0] : vector<64x1024xf32> to vector<1024xf32>
    %broadcast_in_dim3A_143 = vector.shape_cast %reduce_sum3A_142 : vector<1024xf32> to vector<1x1024xf32>
    %dot_general3A_144 = arith.constant dense<0.000000e+00> : vector<896x1024xf32>
    %dot_general3A_145 = tpu.matmul %get3A_1, %get3A_139, %dot_general3A_144 {dimension_numbers = #tpu.dot_dimension_numbers<[0], [0], [1], [1], [0, 1, 1, 1], [], []>, transpose_lhs_hint = false} : vector<64x896xf32>, vector<64x1024xf32>, vector<896x1024xf32> -> vector<896x1024xf32>
    %add3A_146 = vector.broadcast %broadcast_in_dim3A : vector<896x1xf32> to vector<896x1024xf32>
    %add3A_147 = vector.broadcast %broadcast_in_dim3A_143 : vector<1x1024xf32> to vector<896x1024xf32>
    %add3A_148 = arith.addf %add3A_146, %add3A_147 : vector<896x1024xf32>
    %mul3A_149 = arith.constant 2.000000e+00 : f32
    %mul3A_150 = vector.broadcast %mul3A_149 : f32 to vector<896x1024xf32>
    %mul3A_151 = arith.mulf %mul3A_150, %dot_general3A_145 : vector<896x1024xf32>
    %sub3A_152 = arith.subf %add3A_148, %mul3A_151 : vector<896x1024xf32>
    %reduce_min3A_153 = arith.constant dense<0x7F800000> : vector<896xf32>
    %reduce_min3A_154 = vector.multi_reduction <minimumf>, %sub3A_152, %reduce_min3A_153 [1] : vector<896x1024xf32> to vector<896xf32>
    %broadcast_in_dim3A_155 = vector.shape_cast %reduce_min3A_154 : vector<896xf32> to vector<896x1xf32>
    %iota3A_156 = tpu.iota {dimensions = array<i32: 1>} : vector<896x1024xi32>
    %eq3A_157 = vector.broadcast %broadcast_in_dim3A_155 : vector<896x1xf32> to vector<896x1024xf32>
    %eq3A_158 = arith.cmpf oeq, %sub3A_152, %eq3A_157 : vector<896x1024xf32>
    %jit3A_159 = arith.constant 1073741824 : i32
    %broadcast_in_dim3A_160 = vector.broadcast %jit3A_159 : i32 to vector<896x1024xi32>
    %select_n3A_161 = arith.select %eq3A_158, %iota3A_156, %broadcast_in_dim3A_160 : vector<896x1024xi1>, vector<896x1024xi32>
    %reduce_min3A_162 = arith.constant dense<2147483647> : vector<896xi32>
    %reduce_min3A_163 = vector.multi_reduction <minsi>, %select_n3A_161, %reduce_min3A_162 [1] : vector<896x1024xi32> to vector<896xi32>
    %broadcast_in_dim3A_164 = vector.shape_cast %reduce_min3A_163 : vector<896xi32> to vector<896x1xi32>
    %add3A_165 = arith.constant 4096 : i32
    %add3A_166 = vector.broadcast %add3A_165 : i32 to vector<896x1xi32>
    %add3A_167 = arith.addi %broadcast_in_dim3A_164, %add3A_166 : vector<896x1xi32>
    %lt3A_168 = arith.cmpf olt, %broadcast_in_dim3A_155, %select_n3A_135 : vector<896x1xf32>
    %select_n3A_169 = arith.select %lt3A_168, %broadcast_in_dim3A_155, %select_n3A_135 : vector<896x1xi1>, vector<896x1xf32>
    %select_n3A_170 = arith.select %lt3A_168, %add3A_167, %select_n3A_136 : vector<896x1xi1>, vector<896x1xi32>
    %get3A_171 = arith.constant 0 : index
    %get3A_172 = arith.constant 5120 : index
    %get3A_173 = vector.load %arg4[%get3A_171, %get3A_172] : memref<64x8192xf32, #tpu.memory_space<vmem>>, vector<64x1024xf32>
    %mul3A_174 = arith.mulf %get3A_173, %get3A_173 : vector<64x1024xf32>
    %reduce_sum3A_175 = arith.constant dense<0.000000e+00> : vector<1024xf32>
    %reduce_sum3A_176 = vector.multi_reduction <add>, %mul3A_174, %reduce_sum3A_175 [0] : vector<64x1024xf32> to vector<1024xf32>
    %broadcast_in_dim3A_177 = vector.shape_cast %reduce_sum3A_176 : vector<1024xf32> to vector<1x1024xf32>
    %dot_general3A_178 = arith.constant dense<0.000000e+00> : vector<896x1024xf32>
    %dot_general3A_179 = tpu.matmul %get3A_1, %get3A_173, %dot_general3A_178 {dimension_numbers = #tpu.dot_dimension_numbers<[0], [0], [1], [1], [0, 1, 1, 1], [], []>, transpose_lhs_hint = false} : vector<64x896xf32>, vector<64x1024xf32>, vector<896x1024xf32> -> vector<896x1024xf32>
    %add3A_180 = vector.broadcast %broadcast_in_dim3A : vector<896x1xf32> to vector<896x1024xf32>
    %add3A_181 = vector.broadcast %broadcast_in_dim3A_177 : vector<1x1024xf32> to vector<896x1024xf32>
    %add3A_182 = arith.addf %add3A_180, %add3A_181 : vector<896x1024xf32>
    %mul3A_183 = arith.constant 2.000000e+00 : f32
    %mul3A_184 = vector.broadcast %mul3A_183 : f32 to vector<896x1024xf32>
    %mul3A_185 = arith.mulf %mul3A_184, %dot_general3A_179 : vector<896x1024xf32>
    %sub3A_186 = arith.subf %add3A_182, %mul3A_185 : vector<896x1024xf32>
    %reduce_min3A_187 = arith.constant dense<0x7F800000> : vector<896xf32>
    %reduce_min3A_188 = vector.multi_reduction <minimumf>, %sub3A_186, %reduce_min3A_187 [1] : vector<896x1024xf32> to vector<896xf32>
    %broadcast_in_dim3A_189 = vector.shape_cast %reduce_min3A_188 : vector<896xf32> to vector<896x1xf32>
    %iota3A_190 = tpu.iota {dimensions = array<i32: 1>} : vector<896x1024xi32>
    %eq3A_191 = vector.broadcast %broadcast_in_dim3A_189 : vector<896x1xf32> to vector<896x1024xf32>
    %eq3A_192 = arith.cmpf oeq, %sub3A_186, %eq3A_191 : vector<896x1024xf32>
    %jit3A_193 = arith.constant 1073741824 : i32
    %broadcast_in_dim3A_194 = vector.broadcast %jit3A_193 : i32 to vector<896x1024xi32>
    %select_n3A_195 = arith.select %eq3A_192, %iota3A_190, %broadcast_in_dim3A_194 : vector<896x1024xi1>, vector<896x1024xi32>
    %reduce_min3A_196 = arith.constant dense<2147483647> : vector<896xi32>
    %reduce_min3A_197 = vector.multi_reduction <minsi>, %select_n3A_195, %reduce_min3A_196 [1] : vector<896x1024xi32> to vector<896xi32>
    %broadcast_in_dim3A_198 = vector.shape_cast %reduce_min3A_197 : vector<896xi32> to vector<896x1xi32>
    %add3A_199 = arith.constant 5120 : i32
    %add3A_200 = vector.broadcast %add3A_199 : i32 to vector<896x1xi32>
    %add3A_201 = arith.addi %broadcast_in_dim3A_198, %add3A_200 : vector<896x1xi32>
    %lt3A_202 = arith.cmpf olt, %broadcast_in_dim3A_189, %select_n3A_169 : vector<896x1xf32>
    %select_n3A_203 = arith.select %lt3A_202, %broadcast_in_dim3A_189, %select_n3A_169 : vector<896x1xi1>, vector<896x1xf32>
    %select_n3A_204 = arith.select %lt3A_202, %add3A_201, %select_n3A_170 : vector<896x1xi1>, vector<896x1xi32>
    %get3A_205 = arith.constant 0 : index
    %get3A_206 = arith.constant 6144 : index
    %get3A_207 = vector.load %arg4[%get3A_205, %get3A_206] : memref<64x8192xf32, #tpu.memory_space<vmem>>, vector<64x1024xf32>
    %mul3A_208 = arith.mulf %get3A_207, %get3A_207 : vector<64x1024xf32>
    %reduce_sum3A_209 = arith.constant dense<0.000000e+00> : vector<1024xf32>
    %reduce_sum3A_210 = vector.multi_reduction <add>, %mul3A_208, %reduce_sum3A_209 [0] : vector<64x1024xf32> to vector<1024xf32>
    %broadcast_in_dim3A_211 = vector.shape_cast %reduce_sum3A_210 : vector<1024xf32> to vector<1x1024xf32>
    %dot_general3A_212 = arith.constant dense<0.000000e+00> : vector<896x1024xf32>
    %dot_general3A_213 = tpu.matmul %get3A_1, %get3A_207, %dot_general3A_212 {dimension_numbers = #tpu.dot_dimension_numbers<[0], [0], [1], [1], [0, 1, 1, 1], [], []>, transpose_lhs_hint = false} : vector<64x896xf32>, vector<64x1024xf32>, vector<896x1024xf32> -> vector<896x1024xf32>
    %add3A_214 = vector.broadcast %broadcast_in_dim3A : vector<896x1xf32> to vector<896x1024xf32>
    %add3A_215 = vector.broadcast %broadcast_in_dim3A_211 : vector<1x1024xf32> to vector<896x1024xf32>
    %add3A_216 = arith.addf %add3A_214, %add3A_215 : vector<896x1024xf32>
    %mul3A_217 = arith.constant 2.000000e+00 : f32
    %mul3A_218 = vector.broadcast %mul3A_217 : f32 to vector<896x1024xf32>
    %mul3A_219 = arith.mulf %mul3A_218, %dot_general3A_213 : vector<896x1024xf32>
    %sub3A_220 = arith.subf %add3A_216, %mul3A_219 : vector<896x1024xf32>
    %reduce_min3A_221 = arith.constant dense<0x7F800000> : vector<896xf32>
    %reduce_min3A_222 = vector.multi_reduction <minimumf>, %sub3A_220, %reduce_min3A_221 [1] : vector<896x1024xf32> to vector<896xf32>
    %broadcast_in_dim3A_223 = vector.shape_cast %reduce_min3A_222 : vector<896xf32> to vector<896x1xf32>
    %iota3A_224 = tpu.iota {dimensions = array<i32: 1>} : vector<896x1024xi32>
    %eq3A_225 = vector.broadcast %broadcast_in_dim3A_223 : vector<896x1xf32> to vector<896x1024xf32>
    %eq3A_226 = arith.cmpf oeq, %sub3A_220, %eq3A_225 : vector<896x1024xf32>
    %jit3A_227 = arith.constant 1073741824 : i32
    %broadcast_in_dim3A_228 = vector.broadcast %jit3A_227 : i32 to vector<896x1024xi32>
    %select_n3A_229 = arith.select %eq3A_226, %iota3A_224, %broadcast_in_dim3A_228 : vector<896x1024xi1>, vector<896x1024xi32>
    %reduce_min3A_230 = arith.constant dense<2147483647> : vector<896xi32>
    %reduce_min3A_231 = vector.multi_reduction <minsi>, %select_n3A_229, %reduce_min3A_230 [1] : vector<896x1024xi32> to vector<896xi32>
    %broadcast_in_dim3A_232 = vector.shape_cast %reduce_min3A_231 : vector<896xi32> to vector<896x1xi32>
    %add3A_233 = arith.constant 6144 : i32
    %add3A_234 = vector.broadcast %add3A_233 : i32 to vector<896x1xi32>
    %add3A_235 = arith.addi %broadcast_in_dim3A_232, %add3A_234 : vector<896x1xi32>
    %lt3A_236 = arith.cmpf olt, %broadcast_in_dim3A_223, %select_n3A_203 : vector<896x1xf32>
    %select_n3A_237 = arith.select %lt3A_236, %broadcast_in_dim3A_223, %select_n3A_203 : vector<896x1xi1>, vector<896x1xf32>
    %select_n3A_238 = arith.select %lt3A_236, %add3A_235, %select_n3A_204 : vector<896x1xi1>, vector<896x1xi32>
    %get3A_239 = arith.constant 0 : index
    %get3A_240 = arith.constant 7168 : index
    %get3A_241 = vector.load %arg4[%get3A_239, %get3A_240] : memref<64x8192xf32, #tpu.memory_space<vmem>>, vector<64x1024xf32>
    %mul3A_242 = arith.mulf %get3A_241, %get3A_241 : vector<64x1024xf32>
    %reduce_sum3A_243 = arith.constant dense<0.000000e+00> : vector<1024xf32>
    %reduce_sum3A_244 = vector.multi_reduction <add>, %mul3A_242, %reduce_sum3A_243 [0] : vector<64x1024xf32> to vector<1024xf32>
    %broadcast_in_dim3A_245 = vector.shape_cast %reduce_sum3A_244 : vector<1024xf32> to vector<1x1024xf32>
    %dot_general3A_246 = arith.constant dense<0.000000e+00> : vector<896x1024xf32>
    %dot_general3A_247 = tpu.matmul %get3A_1, %get3A_241, %dot_general3A_246 {dimension_numbers = #tpu.dot_dimension_numbers<[0], [0], [1], [1], [0, 1, 1, 1], [], []>, transpose_lhs_hint = false} : vector<64x896xf32>, vector<64x1024xf32>, vector<896x1024xf32> -> vector<896x1024xf32>
    %add3A_248 = vector.broadcast %broadcast_in_dim3A : vector<896x1xf32> to vector<896x1024xf32>
    %add3A_249 = vector.broadcast %broadcast_in_dim3A_245 : vector<1x1024xf32> to vector<896x1024xf32>
    %add3A_250 = arith.addf %add3A_248, %add3A_249 : vector<896x1024xf32>
    %mul3A_251 = arith.constant 2.000000e+00 : f32
    %mul3A_252 = vector.broadcast %mul3A_251 : f32 to vector<896x1024xf32>
    %mul3A_253 = arith.mulf %mul3A_252, %dot_general3A_247 : vector<896x1024xf32>
    %sub3A_254 = arith.subf %add3A_250, %mul3A_253 : vector<896x1024xf32>
    %reduce_min3A_255 = arith.constant dense<0x7F800000> : vector<896xf32>
    %reduce_min3A_256 = vector.multi_reduction <minimumf>, %sub3A_254, %reduce_min3A_255 [1] : vector<896x1024xf32> to vector<896xf32>
    %broadcast_in_dim3A_257 = vector.shape_cast %reduce_min3A_256 : vector<896xf32> to vector<896x1xf32>
    %iota3A_258 = tpu.iota {dimensions = array<i32: 1>} : vector<896x1024xi32>
    %eq3A_259 = vector.broadcast %broadcast_in_dim3A_257 : vector<896x1xf32> to vector<896x1024xf32>
    %eq3A_260 = arith.cmpf oeq, %sub3A_254, %eq3A_259 : vector<896x1024xf32>
    %jit3A_261 = arith.constant 1073741824 : i32
    %broadcast_in_dim3A_262 = vector.broadcast %jit3A_261 : i32 to vector<896x1024xi32>
    %select_n3A_263 = arith.select %eq3A_260, %iota3A_258, %broadcast_in_dim3A_262 : vector<896x1024xi1>, vector<896x1024xi32>
    %reduce_min3A_264 = arith.constant dense<2147483647> : vector<896xi32>
    %reduce_min3A_265 = vector.multi_reduction <minsi>, %select_n3A_263, %reduce_min3A_264 [1] : vector<896x1024xi32> to vector<896xi32>
    %broadcast_in_dim3A_266 = vector.shape_cast %reduce_min3A_265 : vector<896xi32> to vector<896x1xi32>
    %add3A_267 = arith.constant 7168 : i32
    %add3A_268 = vector.broadcast %add3A_267 : i32 to vector<896x1xi32>
    %add3A_269 = arith.addi %broadcast_in_dim3A_266, %add3A_268 : vector<896x1xi32>
    %lt3A_270 = arith.cmpf olt, %broadcast_in_dim3A_257, %select_n3A_237 : vector<896x1xf32>
    %select_n3A_271 = arith.select %lt3A_270, %add3A_269, %select_n3A_238 : vector<896x1xi1>, vector<896x1xi32>
    %swap3A = arith.constant 0 : index
    %swap3A_272 = arith.constant 0 : index
    %swap3A_273 = vector.load %arg5[%swap3A, %swap3A_272] : memref<896x1xi32, #tpu.memory_space<vmem>>, vector<896x1xi32>
    tpu.vector_store %arg5[%swap3A, %swap3A_272], %select_n3A_271 {strides = array<i32>} : memref<896x1xi32, #tpu.memory_space<vmem>>, vector<896x1xi32>,
    %iota3A_274 = tpu.iota {dimensions = array<i32: 1>} : vector<896x1024xi32>
    %add3A_275 = arith.constant 0 : i32
    %add3A_276 = vector.broadcast %add3A_275 : i32 to vector<896x1024xi32>
    %add3A_277 = arith.addi %iota3A_274, %add3A_276 : vector<896x1024xi32>
    %eq3A_278 = vector.broadcast %select_n3A_271 : vector<896x1xi32> to vector<896x1024xi32>
    %eq3A_279 = arith.cmpi eq, %eq3A_278, %add3A_277 : vector<896x1024xi32>
    %convert_element_type3A = arith.extui %eq3A_279 : vector<896x1024xi1> to vector<896x1024xi32>
    %convert_element_type3A_280 = arith.sitofp %convert_element_type3A : vector<896x1024xi32> to vector<896x1024xf32>
    %reduce_sum3A_281 = arith.constant dense<0.000000e+00> : vector<1024xf32>
    %reduce_sum3A_282 = vector.multi_reduction <add>, %convert_element_type3A_280, %reduce_sum3A_281 [0] : vector<896x1024xf32> to vector<1024xf32>
    %broadcast_in_dim3A_283 = vector.shape_cast %reduce_sum3A_282 : vector<1024xf32> to vector<1x1024xf32>
    %eq3A_284 = arith.constant 0 : i32
    %eq3A_285 = arith.cmpi eq, %arg0, %eq3A_284 : i32
    %get3A_286 = arith.constant 0 : index
    %get3A_287 = arith.constant 0 : index
    %get3A_288 = vector.load %arg7[%get3A_286, %get3A_287] : memref<1x8192xf32, #tpu.memory_space<vmem>>, vector<1x1024xf32>
    %jit3A_289 = arith.constant 0.000000e+00 : f32
    %broadcast_in_dim3A_290 = vector.broadcast %jit3A_289 : f32 to vector<1x1024xf32>
    %select_n3A_291 = arith.select %eq3A_285, %broadcast_in_dim3A_290, %get3A_288 : vector<1x1024xf32>
    %add3A_292 = arith.addf %select_n3A_291, %broadcast_in_dim3A_283 : vector<1x1024xf32>
    %swap3A_293 = arith.constant 0 : index
    %swap3A_294 = arith.constant 0 : index
    %swap3A_295 = vector.load %arg7[%swap3A_293, %swap3A_294] : memref<1x8192xf32, #tpu.memory_space<vmem>>, vector<1x1024xf32>
    tpu.vector_store %arg7[%swap3A_293, %swap3A_294], %add3A_292 {strides = array<i32>} : memref<1x8192xf32, #tpu.memory_space<vmem>>, vector<1x1024xf32>,
    %iota3A_296 = tpu.iota {dimensions = array<i32: 1>} : vector<896x1024xi32>
    %add3A_297 = arith.constant 1024 : i32
    %add3A_298 = vector.broadcast %add3A_297 : i32 to vector<896x1024xi32>
    %add3A_299 = arith.addi %iota3A_296, %add3A_298 : vector<896x1024xi32>
    %eq3A_300 = vector.broadcast %select_n3A_271 : vector<896x1xi32> to vector<896x1024xi32>
    %eq3A_301 = arith.cmpi eq, %eq3A_300, %add3A_299 : vector<896x1024xi32>
    %convert_element_type3A_302 = arith.extui %eq3A_301 : vector<896x1024xi1> to vector<896x1024xi32>
    %convert_element_type3A_303 = arith.sitofp %convert_element_type3A_302 : vector<896x1024xi32> to vector<896x1024xf32>
    %reduce_sum3A_304 = arith.constant dense<0.000000e+00> : vector<1024xf32>
    %reduce_sum3A_305 = vector.multi_reduction <add>, %convert_element_type3A_303, %reduce_sum3A_304 [0] : vector<896x1024xf32> to vector<1024xf32>
    %broadcast_in_dim3A_306 = vector.shape_cast %reduce_sum3A_305 : vector<1024xf32> to vector<1x1024xf32>
    %eq3A_307 = arith.constant 0 : i32
    %eq3A_308 = arith.cmpi eq, %arg0, %eq3A_307 : i32
    %get3A_309 = arith.constant 0 : index
    %get3A_310 = arith.constant 1024 : index
    %get3A_311 = vector.load %arg7[%get3A_309, %get3A_310] : memref<1x8192xf32, #tpu.memory_space<vmem>>, vector<1x1024xf32>
    %jit3A_312 = arith.constant 0.000000e+00 : f32
    %broadcast_in_dim3A_313 = vector.broadcast %jit3A_312 : f32 to vector<1x1024xf32>
    %select_n3A_314 = arith.select %eq3A_308, %broadcast_in_dim3A_313, %get3A_311 : vector<1x1024xf32>
    %add3A_315 = arith.addf %select_n3A_314, %broadcast_in_dim3A_306 : vector<1x1024xf32>
    %swap3A_316 = arith.constant 0 : index
    %swap3A_317 = arith.constant 1024 : index
    %swap3A_318 = vector.load %arg7[%swap3A_316, %swap3A_317] : memref<1x8192xf32, #tpu.memory_space<vmem>>, vector<1x1024xf32>
    tpu.vector_store %arg7[%swap3A_316, %swap3A_317], %add3A_315 {strides = array<i32>} : memref<1x8192xf32, #tpu.memory_space<vmem>>, vector<1x1024xf32>,
    %iota3A_319 = tpu.iota {dimensions = array<i32: 1>} : vector<896x1024xi32>
    %add3A_320 = arith.constant 2048 : i32
    %add3A_321 = vector.broadcast %add3A_320 : i32 to vector<896x1024xi32>
    %add3A_322 = arith.addi %iota3A_319, %add3A_321 : vector<896x1024xi32>
    %eq3A_323 = vector.broadcast %select_n3A_271 : vector<896x1xi32> to vector<896x1024xi32>
    %eq3A_324 = arith.cmpi eq, %eq3A_323, %add3A_322 : vector<896x1024xi32>
    %convert_element_type3A_325 = arith.extui %eq3A_324 : vector<896x1024xi1> to vector<896x1024xi32>
    %convert_element_type3A_326 = arith.sitofp %convert_element_type3A_325 : vector<896x1024xi32> to vector<896x1024xf32>
    %reduce_sum3A_327 = arith.constant dense<0.000000e+00> : vector<1024xf32>
    %reduce_sum3A_328 = vector.multi_reduction <add>, %convert_element_type3A_326, %reduce_sum3A_327 [0] : vector<896x1024xf32> to vector<1024xf32>
    %broadcast_in_dim3A_329 = vector.shape_cast %reduce_sum3A_328 : vector<1024xf32> to vector<1x1024xf32>
    %eq3A_330 = arith.constant 0 : i32
    %eq3A_331 = arith.cmpi eq, %arg0, %eq3A_330 : i32
    %get3A_332 = arith.constant 0 : index
    %get3A_333 = arith.constant 2048 : index
    %get3A_334 = vector.load %arg7[%get3A_332, %get3A_333] : memref<1x8192xf32, #tpu.memory_space<vmem>>, vector<1x1024xf32>
    %jit3A_335 = arith.constant 0.000000e+00 : f32
    %broadcast_in_dim3A_336 = vector.broadcast %jit3A_335 : f32 to vector<1x1024xf32>
    %select_n3A_337 = arith.select %eq3A_331, %broadcast_in_dim3A_336, %get3A_334 : vector<1x1024xf32>
    %add3A_338 = arith.addf %select_n3A_337, %broadcast_in_dim3A_329 : vector<1x1024xf32>
    %swap3A_339 = arith.constant 0 : index
    %swap3A_340 = arith.constant 2048 : index
    %swap3A_341 = vector.load %arg7[%swap3A_339, %swap3A_340] : memref<1x8192xf32, #tpu.memory_space<vmem>>, vector<1x1024xf32>
    tpu.vector_store %arg7[%swap3A_339, %swap3A_340], %add3A_338 {strides = array<i32>} : memref<1x8192xf32, #tpu.memory_space<vmem>>, vector<1x1024xf32>,
    %iota3A_342 = tpu.iota {dimensions = array<i32: 1>} : vector<896x1024xi32>
    %add3A_343 = arith.constant 3072 : i32
    %add3A_344 = vector.broadcast %add3A_343 : i32 to vector<896x1024xi32>
    %add3A_345 = arith.addi %iota3A_342, %add3A_344 : vector<896x1024xi32>
    %eq3A_346 = vector.broadcast %select_n3A_271 : vector<896x1xi32> to vector<896x1024xi32>
    %eq3A_347 = arith.cmpi eq, %eq3A_346, %add3A_345 : vector<896x1024xi32>
    %convert_element_type3A_348 = arith.extui %eq3A_347 : vector<896x1024xi1> to vector<896x1024xi32>
    %convert_element_type3A_349 = arith.sitofp %convert_element_type3A_348 : vector<896x1024xi32> to vector<896x1024xf32>
    %reduce_sum3A_350 = arith.constant dense<0.000000e+00> : vector<1024xf32>
    %reduce_sum3A_351 = vector.multi_reduction <add>, %convert_element_type3A_349, %reduce_sum3A_350 [0] : vector<896x1024xf32> to vector<1024xf32>
    %broadcast_in_dim3A_352 = vector.shape_cast %reduce_sum3A_351 : vector<1024xf32> to vector<1x1024xf32>
    %eq3A_353 = arith.constant 0 : i32
    %eq3A_354 = arith.cmpi eq, %arg0, %eq3A_353 : i32
    %get3A_355 = arith.constant 0 : index
    %get3A_356 = arith.constant 3072 : index
    %get3A_357 = vector.load %arg7[%get3A_355, %get3A_356] : memref<1x8192xf32, #tpu.memory_space<vmem>>, vector<1x1024xf32>
    %jit3A_358 = arith.constant 0.000000e+00 : f32
    %broadcast_in_dim3A_359 = vector.broadcast %jit3A_358 : f32 to vector<1x1024xf32>
    %select_n3A_360 = arith.select %eq3A_354, %broadcast_in_dim3A_359, %get3A_357 : vector<1x1024xf32>
    %add3A_361 = arith.addf %select_n3A_360, %broadcast_in_dim3A_352 : vector<1x1024xf32>
    %swap3A_362 = arith.constant 0 : index
    %swap3A_363 = arith.constant 3072 : index
    %swap3A_364 = vector.load %arg7[%swap3A_362, %swap3A_363] : memref<1x8192xf32, #tpu.memory_space<vmem>>, vector<1x1024xf32>
    tpu.vector_store %arg7[%swap3A_362, %swap3A_363], %add3A_361 {strides = array<i32>} : memref<1x8192xf32, #tpu.memory_space<vmem>>, vector<1x1024xf32>,
    %iota3A_365 = tpu.iota {dimensions = array<i32: 1>} : vector<896x1024xi32>
    %add3A_366 = arith.constant 4096 : i32
    %add3A_367 = vector.broadcast %add3A_366 : i32 to vector<896x1024xi32>
    %add3A_368 = arith.addi %iota3A_365, %add3A_367 : vector<896x1024xi32>
    %eq3A_369 = vector.broadcast %select_n3A_271 : vector<896x1xi32> to vector<896x1024xi32>
    %eq3A_370 = arith.cmpi eq, %eq3A_369, %add3A_368 : vector<896x1024xi32>
    %convert_element_type3A_371 = arith.extui %eq3A_370 : vector<896x1024xi1> to vector<896x1024xi32>
    %convert_element_type3A_372 = arith.sitofp %convert_element_type3A_371 : vector<896x1024xi32> to vector<896x1024xf32>
    %reduce_sum3A_373 = arith.constant dense<0.000000e+00> : vector<1024xf32>
    %reduce_sum3A_374 = vector.multi_reduction <add>, %convert_element_type3A_372, %reduce_sum3A_373 [0] : vector<896x1024xf32> to vector<1024xf32>
    %broadcast_in_dim3A_375 = vector.shape_cast %reduce_sum3A_374 : vector<1024xf32> to vector<1x1024xf32>
    %eq3A_376 = arith.constant 0 : i32
    %eq3A_377 = arith.cmpi eq, %arg0, %eq3A_376 : i32
    %get3A_378 = arith.constant 0 : index
    %get3A_379 = arith.constant 4096 : index
    %get3A_380 = vector.load %arg7[%get3A_378, %get3A_379] : memref<1x8192xf32, #tpu.memory_space<vmem>>, vector<1x1024xf32>
    %jit3A_381 = arith.constant 0.000000e+00 : f32
    %broadcast_in_dim3A_382 = vector.broadcast %jit3A_381 : f32 to vector<1x1024xf32>
    %select_n3A_383 = arith.select %eq3A_377, %broadcast_in_dim3A_382, %get3A_380 : vector<1x1024xf32>
    %add3A_384 = arith.addf %select_n3A_383, %broadcast_in_dim3A_375 : vector<1x1024xf32>
    %swap3A_385 = arith.constant 0 : index
    %swap3A_386 = arith.constant 4096 : index
    %swap3A_387 = vector.load %arg7[%swap3A_385, %swap3A_386] : memref<1x8192xf32, #tpu.memory_space<vmem>>, vector<1x1024xf32>
    tpu.vector_store %arg7[%swap3A_385, %swap3A_386], %add3A_384 {strides = array<i32>} : memref<1x8192xf32, #tpu.memory_space<vmem>>, vector<1x1024xf32>,
    %iota3A_388 = tpu.iota {dimensions = array<i32: 1>} : vector<896x1024xi32>
    %add3A_389 = arith.constant 5120 : i32
    %add3A_390 = vector.broadcast %add3A_389 : i32 to vector<896x1024xi32>
    %add3A_391 = arith.addi %iota3A_388, %add3A_390 : vector<896x1024xi32>
    %eq3A_392 = vector.broadcast %select_n3A_271 : vector<896x1xi32> to vector<896x1024xi32>
    %eq3A_393 = arith.cmpi eq, %eq3A_392, %add3A_391 : vector<896x1024xi32>
    %convert_element_type3A_394 = arith.extui %eq3A_393 : vector<896x1024xi1> to vector<896x1024xi32>
    %convert_element_type3A_395 = arith.sitofp %convert_element_type3A_394 : vector<896x1024xi32> to vector<896x1024xf32>
    %reduce_sum3A_396 = arith.constant dense<0.000000e+00> : vector<1024xf32>
    %reduce_sum3A_397 = vector.multi_reduction <add>, %convert_element_type3A_395, %reduce_sum3A_396 [0] : vector<896x1024xf32> to vector<1024xf32>
    %broadcast_in_dim3A_398 = vector.shape_cast %reduce_sum3A_397 : vector<1024xf32> to vector<1x1024xf32>
    %eq3A_399 = arith.constant 0 : i32
    %eq3A_400 = arith.cmpi eq, %arg0, %eq3A_399 : i32
    %get3A_401 = arith.constant 0 : index
    %get3A_402 = arith.constant 5120 : index
    %get3A_403 = vector.load %arg7[%get3A_401, %get3A_402] : memref<1x8192xf32, #tpu.memory_space<vmem>>, vector<1x1024xf32>
    %jit3A_404 = arith.constant 0.000000e+00 : f32
    %broadcast_in_dim3A_405 = vector.broadcast %jit3A_404 : f32 to vector<1x1024xf32>
    %select_n3A_406 = arith.select %eq3A_400, %broadcast_in_dim3A_405, %get3A_403 : vector<1x1024xf32>
    %add3A_407 = arith.addf %select_n3A_406, %broadcast_in_dim3A_398 : vector<1x1024xf32>
    %swap3A_408 = arith.constant 0 : index
    %swap3A_409 = arith.constant 5120 : index
    %swap3A_410 = vector.load %arg7[%swap3A_408, %swap3A_409] : memref<1x8192xf32, #tpu.memory_space<vmem>>, vector<1x1024xf32>
    tpu.vector_store %arg7[%swap3A_408, %swap3A_409], %add3A_407 {strides = array<i32>} : memref<1x8192xf32, #tpu.memory_space<vmem>>, vector<1x1024xf32>,
    %iota3A_411 = tpu.iota {dimensions = array<i32: 1>} : vector<896x1024xi32>
    %add3A_412 = arith.constant 6144 : i32
    %add3A_413 = vector.broadcast %add3A_412 : i32 to vector<896x1024xi32>
    %add3A_414 = arith.addi %iota3A_411, %add3A_413 : vector<896x1024xi32>
    %eq3A_415 = vector.broadcast %select_n3A_271 : vector<896x1xi32> to vector<896x1024xi32>
    %eq3A_416 = arith.cmpi eq, %eq3A_415, %add3A_414 : vector<896x1024xi32>
    %convert_element_type3A_417 = arith.extui %eq3A_416 : vector<896x1024xi1> to vector<896x1024xi32>
    %convert_element_type3A_418 = arith.sitofp %convert_element_type3A_417 : vector<896x1024xi32> to vector<896x1024xf32>
    %reduce_sum3A_419 = arith.constant dense<0.000000e+00> : vector<1024xf32>
    %reduce_sum3A_420 = vector.multi_reduction <add>, %convert_element_type3A_418, %reduce_sum3A_419 [0] : vector<896x1024xf32> to vector<1024xf32>
    %broadcast_in_dim3A_421 = vector.shape_cast %reduce_sum3A_420 : vector<1024xf32> to vector<1x1024xf32>
    %eq3A_422 = arith.constant 0 : i32
    %eq3A_423 = arith.cmpi eq, %arg0, %eq3A_422 : i32
    %get3A_424 = arith.constant 0 : index
    %get3A_425 = arith.constant 6144 : index
    %get3A_426 = vector.load %arg7[%get3A_424, %get3A_425] : memref<1x8192xf32, #tpu.memory_space<vmem>>, vector<1x1024xf32>
    %jit3A_427 = arith.constant 0.000000e+00 : f32
    %broadcast_in_dim3A_428 = vector.broadcast %jit3A_427 : f32 to vector<1x1024xf32>
    %select_n3A_429 = arith.select %eq3A_423, %broadcast_in_dim3A_428, %get3A_426 : vector<1x1024xf32>
    %add3A_430 = arith.addf %select_n3A_429, %broadcast_in_dim3A_421 : vector<1x1024xf32>
    %swap3A_431 = arith.constant 0 : index
    %swap3A_432 = arith.constant 6144 : index
    %swap3A_433 = vector.load %arg7[%swap3A_431, %swap3A_432] : memref<1x8192xf32, #tpu.memory_space<vmem>>, vector<1x1024xf32>
    tpu.vector_store %arg7[%swap3A_431, %swap3A_432], %add3A_430 {strides = array<i32>} : memref<1x8192xf32, #tpu.memory_space<vmem>>, vector<1x1024xf32>,
    %iota3A_434 = tpu.iota {dimensions = array<i32: 1>} : vector<896x1024xi32>
    %add3A_435 = arith.constant 7168 : i32
    %add3A_436 = vector.broadcast %add3A_435 : i32 to vector<896x1024xi32>
    %add3A_437 = arith.addi %iota3A_434, %add3A_436 : vector<896x1024xi32>
    %eq3A_438 = vector.broadcast %select_n3A_271 : vector<896x1xi32> to vector<896x1024xi32>
    %eq3A_439 = arith.cmpi eq, %eq3A_438, %add3A_437 : vector<896x1024xi32>
    %convert_element_type3A_440 = arith.extui %eq3A_439 : vector<896x1024xi1> to vector<896x1024xi32>
    %convert_element_type3A_441 = arith.sitofp %convert_element_type3A_440 : vector<896x1024xi32> to vector<896x1024xf32>
    %reduce_sum3A_442 = arith.constant dense<0.000000e+00> : vector<1024xf32>
    %reduce_sum3A_443 = vector.multi_reduction <add>, %convert_element_type3A_441, %reduce_sum3A_442 [0] : vector<896x1024xf32> to vector<1024xf32>
    %broadcast_in_dim3A_444 = vector.shape_cast %reduce_sum3A_443 : vector<1024xf32> to vector<1x1024xf32>
    %eq3A_445 = arith.constant 0 : i32
    %eq3A_446 = arith.cmpi eq, %arg0, %eq3A_445 : i32
    %get3A_447 = arith.constant 0 : index
    %get3A_448 = arith.constant 7168 : index
    %get3A_449 = vector.load %arg7[%get3A_447, %get3A_448] : memref<1x8192xf32, #tpu.memory_space<vmem>>, vector<1x1024xf32>
    %jit3A_450 = arith.constant 0.000000e+00 : f32
    %broadcast_in_dim3A_451 = vector.broadcast %jit3A_450 : f32 to vector<1x1024xf32>
    %select_n3A_452 = arith.select %eq3A_446, %broadcast_in_dim3A_451, %get3A_449 : vector<1x1024xf32>
    %add3A_453 = arith.addf %select_n3A_452, %broadcast_in_dim3A_444 : vector<1x1024xf32>
    %swap3A_454 = arith.constant 0 : index
    %swap3A_455 = arith.constant 7168 : index
    %swap3A_456 = vector.load %arg7[%swap3A_454, %swap3A_455] : memref<1x8192xf32, #tpu.memory_space<vmem>>, vector<1x1024xf32>
    tpu.vector_store %arg7[%swap3A_454, %swap3A_455], %add3A_453 {strides = array<i32>} : memref<1x8192xf32, #tpu.memory_space<vmem>>, vector<1x1024xf32>,
    %eq3A_457 = arith.constant 13 : i32
    %eq3A_458 = arith.cmpi eq, %arg0, %eq3A_457 : i32
    %convert_element_type3A_459 = arith.extui %eq3A_458 : i1 to i32
    %cond3A = arith.constant 0 : i32
    %cond3A_460 = arith.cmpi ne, %convert_element_type3A_459, %cond3A : i32
    scf.if %cond3A_460 {
      %get3A_461 = arith.constant 0 : index
      %get3A_462 = arith.constant 0 : index
      %get3A_463 = vector.load %arg7[%get3A_461, %get3A_462] : memref<1x8192xf32, #tpu.memory_space<vmem>>, vector<1x8192xf32>
      %mul3A_464 = arith.constant 7.97193861E-5 : f32
      %mul3A_465 = vector.broadcast %mul3A_464 : f32 to vector<1x8192xf32>
      %mul3A_466 = arith.mulf %get3A_463, %mul3A_465 : vector<1x8192xf32>
      %add3A_467 = arith.constant 1.000000e-10 : f32
      %add3A_468 = vector.broadcast %add3A_467 : f32 to vector<1x8192xf32>
      %add3A_469 = arith.addf %mul3A_466, %add3A_468 : vector<1x8192xf32>
      %log3A = math.log %add3A_469 : vector<1x8192xf32>
      %mul3A_470 = arith.mulf %mul3A_466, %log3A : vector<1x8192xf32>
      %reduce_sum3A_471 = vector.shape_cast %mul3A_470 : vector<1x8192xf32> to vector<1x1x8192xf32>
      %reduce_sum3A_472 = arith.constant dense<0.000000e+00> : vector<1xf32>
      %reduce_sum3A_473 = vector.multi_reduction <add>, %reduce_sum3A_471, %reduce_sum3A_472 [1, 2] : vector<1x1x8192xf32> to vector<1xf32>
      %reduce_sum3A_474 = vector.shape_cast %reduce_sum3A_473 : vector<1xf32> to vector<1x1x1xf32>
      %reduce_sum3A_475 = vector.extract %reduce_sum3A_474[0, 0, 0] : f32 from vector<1x1x1xf32>
      %neg3A = arith.constant 0.000000e+00 : f32
      %neg3A_476 = arith.subf %neg3A, %reduce_sum3A_475 : f32
      %exp3A = math.exp %neg3A_476 : f32
      %broadcast_in_dim3A_477 = vector.broadcast %exp3A : f32 to vector<1x1xf32>
      %swap3A_478 = arith.constant 0 : index
      %swap3A_479 = arith.constant 0 : index
      %swap3A_480 = vector.load %arg6[%swap3A_478, %swap3A_479] : memref<1x1xf32, #tpu.memory_space<vmem>>, vector<1x1xf32>
      tpu.vector_store %arg6[%swap3A_478, %swap3A_479], %broadcast_in_dim3A_477 {strides = array<i32>} : memref<1x1xf32, #tpu.memory_space<vmem>>, vector<1x1xf32>,
    } else {
    }
    return
  }
  func.func @transform_0(%arg0: i32) -> (i32, i32) {
    %c0_i32 = arith.constant 0 : i32
    %c0_i32_0 = arith.constant 0 : i32
    return %c0_i32, %arg0 : i32, i32
  }
  func.func @transform_1(%arg0: i32) -> (i32, i32) {
    %c0_i32 = arith.constant 0 : i32
    %c0_i32_0 = arith.constant 0 : i32
    return %arg0, %c0_i32 : i32, i32
  }
  func.func @transform_2(%arg0: i32) -> (i32, i32) {
    %c0_i32 = arith.constant 0 : i32
    %c0_i32_0 = arith.constant 0 : i32
    %c0_i32_1 = arith.constant 0 : i32
    return %c0_i32, %c0_i32_0 : i32, i32
  }
  func.func @transform_3(%arg0: i32) -> (i32, i32) {
    %c0_i32 = arith.constant 0 : i32
    %c0_i32_0 = arith.constant 0 : i32
    %c0_i32_1 = arith.constant 0 : i32
    return %c0_i32, %c0_i32_0 : i32, i32
  }
  func.func @transform_4(%arg0: i32) -> (i32, i32) {
    %c0_i32 = arith.constant 0 : i32
    %c0_i32_0 = arith.constant 0 : i32
    return %arg0, %c0_i32 : i32, i32
  }
  func.func @transform_5(%arg0: i32) -> (i32, i32) {
    %c0_i32 = arith.constant 0 : i32
    %c0_i32_0 = arith.constant 0 : i32
    %c0_i32_1 = arith.constant 0 : i32
    return %c0_i32, %c0_i32_0 : i32, i32
  }
}

module attributes {stable_mosaic.version = 14 : i64} {
  func.func @body(%arg0: i32, %arg1: memref<1x64x3372xf32, #tpu.memory_space<vmem>>, %arg2: memref<4x4x32x64xf32, #tpu.memory_space<vmem>>, %arg3: memref<32x1xf32, #tpu.memory_space<vmem>>, %arg4: memref<1x2x2x32x3248xf32, #tpu.memory_space<vmem>>) attributes {dimension_semantics = [#tpu.dimension_semantics<arbitrary>], iteration_bounds = array<i64: 4>, scalar_prefetch = 0 : i64, scratch_operands = 0 : i64, tpu.core_type = #tpu.core_type<tc>, window_params = [{transform_indices = @transform_0, window_bounds = array<i64: 1, 64, 3372>}, {pipeline_mode = #tpu.pipeline_mode<synchronous>, transform_indices = @transform_1, window_bounds = array<i64: 4, 4, 32, 64>}, {pipeline_mode = #tpu.pipeline_mode<synchronous>, transform_indices = @transform_2, window_bounds = array<i64: 32, 1>}, {transform_indices = @transform_3, window_bounds = array<i64: 1, 2, 2, 32, 3248>}]} {
    %broadcast_in_dim3A = arith.constant 0.000000e+00 : f32
    %broadcast_in_dim3A_0 = vector.broadcast %broadcast_in_dim3A : f32 to vector<32x3248xf32>
    %get3A = arith.constant 0 : index
    %get3A_1 = arith.constant 0 : index
    %get3A_2 = arith.constant 59 : index
    %get3A_3 = vector.load %arg1[%get3A, %get3A_1, %get3A_2] : memref<1x64x3372xf32, #tpu.memory_space<vmem>>, vector<1x64x3248xf32>
    %get3A_4 = vector.shape_cast %get3A_3 : vector<1x64x3248xf32> to vector<64x3248xf32>
    %get3A_5 = arith.constant 1 : index
    %get3A_6 = arith.constant 1 : index
    %get3A_7 = arith.constant 0 : index
    %get3A_8 = arith.constant 0 : index
    %get3A_9 = vector.load %arg2[%get3A_5, %get3A_6, %get3A_7, %get3A_8] : memref<4x4x32x64xf32, #tpu.memory_space<vmem>>, vector<1x1x32x64xf32>
    %get3A_10 = vector.shape_cast %get3A_9 : vector<1x1x32x64xf32> to vector<32x64xf32>
    %dot_general3A = arith.constant dense<0.000000e+00> : vector<32x3248xf32>
    %dot_general3A_11 = tpu.matmul %get3A_10, %get3A_4, %dot_general3A {dimension_numbers = #tpu.dot_dimension_numbers<[1], [0], [0], [1], [0, 0, 1, 1], [], []>, transpose_lhs_hint = false} : vector<32x64xf32>, vector<64x3248xf32>, vector<32x3248xf32> -> vector<32x3248xf32>
    %add3A = arith.addf %broadcast_in_dim3A_0, %dot_general3A_11 : vector<32x3248xf32>
    %get3A_12 = arith.constant 0 : index
    %get3A_13 = arith.constant 0 : index
    %get3A_14 = arith.constant 58 : index
    %get3A_15 = vector.load %arg1[%get3A_12, %get3A_13, %get3A_14] : memref<1x64x3372xf32, #tpu.memory_space<vmem>>, vector<1x64x3248xf32>
    %get3A_16 = vector.shape_cast %get3A_15 : vector<1x64x3248xf32> to vector<64x3248xf32>
    %get3A_17 = arith.constant 1 : index
    %get3A_18 = arith.constant 3 : index
    %get3A_19 = arith.constant 0 : index
    %get3A_20 = arith.constant 0 : index
    %get3A_21 = vector.load %arg2[%get3A_17, %get3A_18, %get3A_19, %get3A_20] : memref<4x4x32x64xf32, #tpu.memory_space<vmem>>, vector<1x1x32x64xf32>
    %get3A_22 = vector.shape_cast %get3A_21 : vector<1x1x32x64xf32> to vector<32x64xf32>
    %dot_general3A_23 = arith.constant dense<0.000000e+00> : vector<32x3248xf32>
    %dot_general3A_24 = tpu.matmul %get3A_22, %get3A_16, %dot_general3A_23 {dimension_numbers = #tpu.dot_dimension_numbers<[1], [0], [0], [1], [0, 0, 1, 1], [], []>, transpose_lhs_hint = false} : vector<32x64xf32>, vector<64x3248xf32>, vector<32x3248xf32> -> vector<32x3248xf32>
    %add3A_25 = arith.addf %add3A, %dot_general3A_24 : vector<32x3248xf32>
    %get3A_26 = arith.constant 0 : index
    %get3A_27 = arith.constant 0 : index
    %get3A_28 = arith.constant 1 : index
    %get3A_29 = vector.load %arg1[%get3A_26, %get3A_27, %get3A_28] : memref<1x64x3372xf32, #tpu.memory_space<vmem>>, vector<1x64x3248xf32>
    %get3A_30 = vector.shape_cast %get3A_29 : vector<1x64x3248xf32> to vector<64x3248xf32>
    %get3A_31 = arith.constant 3 : index
    %get3A_32 = arith.constant 1 : index
    %get3A_33 = arith.constant 0 : index
    %get3A_34 = arith.constant 0 : index
    %get3A_35 = vector.load %arg2[%get3A_31, %get3A_32, %get3A_33, %get3A_34] : memref<4x4x32x64xf32, #tpu.memory_space<vmem>>, vector<1x1x32x64xf32>
    %get3A_36 = vector.shape_cast %get3A_35 : vector<1x1x32x64xf32> to vector<32x64xf32>
    %dot_general3A_37 = arith.constant dense<0.000000e+00> : vector<32x3248xf32>
    %dot_general3A_38 = tpu.matmul %get3A_36, %get3A_30, %dot_general3A_37 {dimension_numbers = #tpu.dot_dimension_numbers<[1], [0], [0], [1], [0, 0, 1, 1], [], []>, transpose_lhs_hint = false} : vector<32x64xf32>, vector<64x3248xf32>, vector<32x3248xf32> -> vector<32x3248xf32>
    %add3A_39 = arith.addf %add3A_25, %dot_general3A_38 : vector<32x3248xf32>
    %get3A_40 = arith.constant 0 : index
    %get3A_41 = arith.constant 0 : index
    %get3A_42 = arith.constant 0 : index
    %get3A_43 = vector.load %arg1[%get3A_40, %get3A_41, %get3A_42] : memref<1x64x3372xf32, #tpu.memory_space<vmem>>, vector<1x64x3248xf32>
    %get3A_44 = vector.shape_cast %get3A_43 : vector<1x64x3248xf32> to vector<64x3248xf32>
    %get3A_45 = arith.constant 3 : index
    %get3A_46 = arith.constant 3 : index
    %get3A_47 = arith.constant 0 : index
    %get3A_48 = arith.constant 0 : index
    %get3A_49 = vector.load %arg2[%get3A_45, %get3A_46, %get3A_47, %get3A_48] : memref<4x4x32x64xf32, #tpu.memory_space<vmem>>, vector<1x1x32x64xf32>
    %get3A_50 = vector.shape_cast %get3A_49 : vector<1x1x32x64xf32> to vector<32x64xf32>
    %dot_general3A_51 = arith.constant dense<0.000000e+00> : vector<32x3248xf32>
    %dot_general3A_52 = tpu.matmul %get3A_50, %get3A_44, %dot_general3A_51 {dimension_numbers = #tpu.dot_dimension_numbers<[1], [0], [0], [1], [0, 0, 1, 1], [], []>, transpose_lhs_hint = false} : vector<32x64xf32>, vector<64x3248xf32>, vector<32x3248xf32> -> vector<32x3248xf32>
    %add3A_53 = arith.addf %add3A_39, %dot_general3A_52 : vector<32x3248xf32>
    %get3A_54 = arith.constant 0 : index
    %get3A_55 = arith.constant 0 : index
    %get3A_56 = vector.load %arg3[%get3A_54, %get3A_55] : memref<32x1xf32, #tpu.memory_space<vmem>>, vector<32x1xf32>
    %add3A_57 = vector.broadcast %get3A_56 : vector<32x1xf32> to vector<32x3248xf32>
    %add3A_58 = arith.addf %add3A_53, %add3A_57 : vector<32x3248xf32>
    %swap3A = arith.constant 0 : index
    %swap3A_59 = arith.constant 0 : index
    %swap3A_60 = arith.constant 0 : index
    %swap3A_61 = arith.constant 0 : index
    %swap3A_62 = arith.constant 0 : index
    %swap3A_63 = vector.load %arg4[%swap3A, %swap3A_59, %swap3A_60, %swap3A_61, %swap3A_62] : memref<1x2x2x32x3248xf32, #tpu.memory_space<vmem>>, vector<1x1x1x32x3248xf32>
    %swap3A_64 = vector.shape_cast %swap3A_63 : vector<1x1x1x32x3248xf32> to vector<32x3248xf32>
    %swap3A_65 = vector.shape_cast %add3A_58 : vector<32x3248xf32> to vector<1x1x1x32x3248xf32>
    tpu.vector_store %arg4[%swap3A, %swap3A_59, %swap3A_60, %swap3A_61, %swap3A_62], %swap3A_65 {strides = array<i32>} : memref<1x2x2x32x3248xf32, #tpu.memory_space<vmem>>, vector<1x1x1x32x3248xf32>,
    %broadcast_in_dim3A_66 = arith.constant 0.000000e+00 : f32
    %broadcast_in_dim3A_67 = vector.broadcast %broadcast_in_dim3A_66 : f32 to vector<32x3248xf32>
    %get3A_68 = arith.constant 0 : index
    %get3A_69 = arith.constant 0 : index
    %get3A_70 = arith.constant 60 : index
    %get3A_71 = vector.load %arg1[%get3A_68, %get3A_69, %get3A_70] : memref<1x64x3372xf32, #tpu.memory_space<vmem>>, vector<1x64x3248xf32>
    %get3A_72 = vector.shape_cast %get3A_71 : vector<1x64x3248xf32> to vector<64x3248xf32>
    %get3A_73 = arith.constant 1 : index
    %get3A_74 = arith.constant 0 : index
    %get3A_75 = arith.constant 0 : index
    %get3A_76 = arith.constant 0 : index
    %get3A_77 = vector.load %arg2[%get3A_73, %get3A_74, %get3A_75, %get3A_76] : memref<4x4x32x64xf32, #tpu.memory_space<vmem>>, vector<1x1x32x64xf32>
    %get3A_78 = vector.shape_cast %get3A_77 : vector<1x1x32x64xf32> to vector<32x64xf32>
    %dot_general3A_79 = arith.constant dense<0.000000e+00> : vector<32x3248xf32>
    %dot_general3A_80 = tpu.matmul %get3A_78, %get3A_72, %dot_general3A_79 {dimension_numbers = #tpu.dot_dimension_numbers<[1], [0], [0], [1], [0, 0, 1, 1], [], []>, transpose_lhs_hint = false} : vector<32x64xf32>, vector<64x3248xf32>, vector<32x3248xf32> -> vector<32x3248xf32>
    %add3A_81 = arith.addf %broadcast_in_dim3A_67, %dot_general3A_80 : vector<32x3248xf32>
    %get3A_82 = arith.constant 0 : index
    %get3A_83 = arith.constant 0 : index
    %get3A_84 = arith.constant 59 : index
    %get3A_85 = vector.load %arg1[%get3A_82, %get3A_83, %get3A_84] : memref<1x64x3372xf32, #tpu.memory_space<vmem>>, vector<1x64x3248xf32>
    %get3A_86 = vector.shape_cast %get3A_85 : vector<1x64x3248xf32> to vector<64x3248xf32>
    %get3A_87 = arith.constant 1 : index
    %get3A_88 = arith.constant 2 : index
    %get3A_89 = arith.constant 0 : index
    %get3A_90 = arith.constant 0 : index
    %get3A_91 = vector.load %arg2[%get3A_87, %get3A_88, %get3A_89, %get3A_90] : memref<4x4x32x64xf32, #tpu.memory_space<vmem>>, vector<1x1x32x64xf32>
    %get3A_92 = vector.shape_cast %get3A_91 : vector<1x1x32x64xf32> to vector<32x64xf32>
    %dot_general3A_93 = arith.constant dense<0.000000e+00> : vector<32x3248xf32>
    %dot_general3A_94 = tpu.matmul %get3A_92, %get3A_86, %dot_general3A_93 {dimension_numbers = #tpu.dot_dimension_numbers<[1], [0], [0], [1], [0, 0, 1, 1], [], []>, transpose_lhs_hint = false} : vector<32x64xf32>, vector<64x3248xf32>, vector<32x3248xf32> -> vector<32x3248xf32>
    %add3A_95 = arith.addf %add3A_81, %dot_general3A_94 : vector<32x3248xf32>
    %get3A_96 = arith.constant 0 : index
    %get3A_97 = arith.constant 0 : index
    %get3A_98 = arith.constant 2 : index
    %get3A_99 = vector.load %arg1[%get3A_96, %get3A_97, %get3A_98] : memref<1x64x3372xf32, #tpu.memory_space<vmem>>, vector<1x64x3248xf32>
    %get3A_100 = vector.shape_cast %get3A_99 : vector<1x64x3248xf32> to vector<64x3248xf32>
    %get3A_101 = arith.constant 3 : index
    %get3A_102 = arith.constant 0 : index
    %get3A_103 = arith.constant 0 : index
    %get3A_104 = arith.constant 0 : index
    %get3A_105 = vector.load %arg2[%get3A_101, %get3A_102, %get3A_103, %get3A_104] : memref<4x4x32x64xf32, #tpu.memory_space<vmem>>, vector<1x1x32x64xf32>
    %get3A_106 = vector.shape_cast %get3A_105 : vector<1x1x32x64xf32> to vector<32x64xf32>
    %dot_general3A_107 = arith.constant dense<0.000000e+00> : vector<32x3248xf32>
    %dot_general3A_108 = tpu.matmul %get3A_106, %get3A_100, %dot_general3A_107 {dimension_numbers = #tpu.dot_dimension_numbers<[1], [0], [0], [1], [0, 0, 1, 1], [], []>, transpose_lhs_hint = false} : vector<32x64xf32>, vector<64x3248xf32>, vector<32x3248xf32> -> vector<32x3248xf32>
    %add3A_109 = arith.addf %add3A_95, %dot_general3A_108 : vector<32x3248xf32>
    %get3A_110 = arith.constant 0 : index
    %get3A_111 = arith.constant 0 : index
    %get3A_112 = arith.constant 1 : index
    %get3A_113 = vector.load %arg1[%get3A_110, %get3A_111, %get3A_112] : memref<1x64x3372xf32, #tpu.memory_space<vmem>>, vector<1x64x3248xf32>
    %get3A_114 = vector.shape_cast %get3A_113 : vector<1x64x3248xf32> to vector<64x3248xf32>
    %get3A_115 = arith.constant 3 : index
    %get3A_116 = arith.constant 2 : index
    %get3A_117 = arith.constant 0 : index
    %get3A_118 = arith.constant 0 : index
    %get3A_119 = vector.load %arg2[%get3A_115, %get3A_116, %get3A_117, %get3A_118] : memref<4x4x32x64xf32, #tpu.memory_space<vmem>>, vector<1x1x32x64xf32>
    %get3A_120 = vector.shape_cast %get3A_119 : vector<1x1x32x64xf32> to vector<32x64xf32>
    %dot_general3A_121 = arith.constant dense<0.000000e+00> : vector<32x3248xf32>
    %dot_general3A_122 = tpu.matmul %get3A_120, %get3A_114, %dot_general3A_121 {dimension_numbers = #tpu.dot_dimension_numbers<[1], [0], [0], [1], [0, 0, 1, 1], [], []>, transpose_lhs_hint = false} : vector<32x64xf32>, vector<64x3248xf32>, vector<32x3248xf32> -> vector<32x3248xf32>
    %add3A_123 = arith.addf %add3A_109, %dot_general3A_122 : vector<32x3248xf32>
    %get3A_124 = arith.constant 0 : index
    %get3A_125 = arith.constant 0 : index
    %get3A_126 = vector.load %arg3[%get3A_124, %get3A_125] : memref<32x1xf32, #tpu.memory_space<vmem>>, vector<32x1xf32>
    %add3A_127 = vector.broadcast %get3A_126 : vector<32x1xf32> to vector<32x3248xf32>
    %add3A_128 = arith.addf %add3A_123, %add3A_127 : vector<32x3248xf32>
    %swap3A_129 = arith.constant 0 : index
    %swap3A_130 = arith.constant 0 : index
    %swap3A_131 = arith.constant 1 : index
    %swap3A_132 = arith.constant 0 : index
    %swap3A_133 = arith.constant 0 : index
    %swap3A_134 = vector.load %arg4[%swap3A_129, %swap3A_130, %swap3A_131, %swap3A_132, %swap3A_133] : memref<1x2x2x32x3248xf32, #tpu.memory_space<vmem>>, vector<1x1x1x32x3248xf32>
    %swap3A_135 = vector.shape_cast %swap3A_134 : vector<1x1x1x32x3248xf32> to vector<32x3248xf32>
    %swap3A_136 = vector.shape_cast %add3A_128 : vector<32x3248xf32> to vector<1x1x1x32x3248xf32>
    tpu.vector_store %arg4[%swap3A_129, %swap3A_130, %swap3A_131, %swap3A_132, %swap3A_133], %swap3A_136 {strides = array<i32>} : memref<1x2x2x32x3248xf32, #tpu.memory_space<vmem>>, vector<1x1x1x32x3248xf32>,
    %broadcast_in_dim3A_137 = arith.constant 0.000000e+00 : f32
    %broadcast_in_dim3A_138 = vector.broadcast %broadcast_in_dim3A_137 : f32 to vector<32x3248xf32>
    %get3A_139 = arith.constant 0 : index
    %get3A_140 = arith.constant 0 : index
    %get3A_141 = arith.constant 117 : index
    %get3A_142 = vector.load %arg1[%get3A_139, %get3A_140, %get3A_141] : memref<1x64x3372xf32, #tpu.memory_space<vmem>>, vector<1x64x3248xf32>
    %get3A_143 = vector.shape_cast %get3A_142 : vector<1x64x3248xf32> to vector<64x3248xf32>
    %get3A_144 = arith.constant 0 : index
    %get3A_145 = arith.constant 1 : index
    %get3A_146 = arith.constant 0 : index
    %get3A_147 = arith.constant 0 : index
    %get3A_148 = vector.load %arg2[%get3A_144, %get3A_145, %get3A_146, %get3A_147] : memref<4x4x32x64xf32, #tpu.memory_space<vmem>>, vector<1x1x32x64xf32>
    %get3A_149 = vector.shape_cast %get3A_148 : vector<1x1x32x64xf32> to vector<32x64xf32>
    %dot_general3A_150 = arith.constant dense<0.000000e+00> : vector<32x3248xf32>
    %dot_general3A_151 = tpu.matmul %get3A_149, %get3A_143, %dot_general3A_150 {dimension_numbers = #tpu.dot_dimension_numbers<[1], [0], [0], [1], [0, 0, 1, 1], [], []>, transpose_lhs_hint = false} : vector<32x64xf32>, vector<64x3248xf32>, vector<32x3248xf32> -> vector<32x3248xf32>
    %add3A_152 = arith.addf %broadcast_in_dim3A_138, %dot_general3A_151 : vector<32x3248xf32>
    %get3A_153 = arith.constant 0 : index
    %get3A_154 = arith.constant 0 : index
    %get3A_155 = arith.constant 116 : index
    %get3A_156 = vector.load %arg1[%get3A_153, %get3A_154, %get3A_155] : memref<1x64x3372xf32, #tpu.memory_space<vmem>>, vector<1x64x3248xf32>
    %get3A_157 = vector.shape_cast %get3A_156 : vector<1x64x3248xf32> to vector<64x3248xf32>
    %get3A_158 = arith.constant 0 : index
    %get3A_159 = arith.constant 3 : index
    %get3A_160 = arith.constant 0 : index
    %get3A_161 = arith.constant 0 : index
    %get3A_162 = vector.load %arg2[%get3A_158, %get3A_159, %get3A_160, %get3A_161] : memref<4x4x32x64xf32, #tpu.memory_space<vmem>>, vector<1x1x32x64xf32>
    %get3A_163 = vector.shape_cast %get3A_162 : vector<1x1x32x64xf32> to vector<32x64xf32>
    %dot_general3A_164 = arith.constant dense<0.000000e+00> : vector<32x3248xf32>
    %dot_general3A_165 = tpu.matmul %get3A_163, %get3A_157, %dot_general3A_164 {dimension_numbers = #tpu.dot_dimension_numbers<[1], [0], [0], [1], [0, 0, 1, 1], [], []>, transpose_lhs_hint = false} : vector<32x64xf32>, vector<64x3248xf32>, vector<32x3248xf32> -> vector<32x3248xf32>
    %add3A_166 = arith.addf %add3A_152, %dot_general3A_165 : vector<32x3248xf32>
    %get3A_167 = arith.constant 0 : index
    %get3A_168 = arith.constant 0 : index
    %get3A_169 = arith.constant 59 : index
    %get3A_170 = vector.load %arg1[%get3A_167, %get3A_168, %get3A_169] : memref<1x64x3372xf32, #tpu.memory_space<vmem>>, vector<1x64x3248xf32>
    %get3A_171 = vector.shape_cast %get3A_170 : vector<1x64x3248xf32> to vector<64x3248xf32>
    %get3A_172 = arith.constant 2 : index
    %get3A_173 = arith.constant 1 : index
    %get3A_174 = arith.constant 0 : index
    %get3A_175 = arith.constant 0 : index
    %get3A_176 = vector.load %arg2[%get3A_172, %get3A_173, %get3A_174, %get3A_175] : memref<4x4x32x64xf32, #tpu.memory_space<vmem>>, vector<1x1x32x64xf32>
    %get3A_177 = vector.shape_cast %get3A_176 : vector<1x1x32x64xf32> to vector<32x64xf32>
    %dot_general3A_178 = arith.constant dense<0.000000e+00> : vector<32x3248xf32>
    %dot_general3A_179 = tpu.matmul %get3A_177, %get3A_171, %dot_general3A_178 {dimension_numbers = #tpu.dot_dimension_numbers<[1], [0], [0], [1], [0, 0, 1, 1], [], []>, transpose_lhs_hint = false} : vector<32x64xf32>, vector<64x3248xf32>, vector<32x3248xf32> -> vector<32x3248xf32>
    %add3A_180 = arith.addf %add3A_166, %dot_general3A_179 : vector<32x3248xf32>
    %get3A_181 = arith.constant 0 : index
    %get3A_182 = arith.constant 0 : index
    %get3A_183 = arith.constant 58 : index
    %get3A_184 = vector.load %arg1[%get3A_181, %get3A_182, %get3A_183] : memref<1x64x3372xf32, #tpu.memory_space<vmem>>, vector<1x64x3248xf32>
    %get3A_185 = vector.shape_cast %get3A_184 : vector<1x64x3248xf32> to vector<64x3248xf32>
    %get3A_186 = arith.constant 2 : index
    %get3A_187 = arith.constant 3 : index
    %get3A_188 = arith.constant 0 : index
    %get3A_189 = arith.constant 0 : index
    %get3A_190 = vector.load %arg2[%get3A_186, %get3A_187, %get3A_188, %get3A_189] : memref<4x4x32x64xf32, #tpu.memory_space<vmem>>, vector<1x1x32x64xf32>
    %get3A_191 = vector.shape_cast %get3A_190 : vector<1x1x32x64xf32> to vector<32x64xf32>
    %dot_general3A_192 = arith.constant dense<0.000000e+00> : vector<32x3248xf32>
    %dot_general3A_193 = tpu.matmul %get3A_191, %get3A_185, %dot_general3A_192 {dimension_numbers = #tpu.dot_dimension_numbers<[1], [0], [0], [1], [0, 0, 1, 1], [], []>, transpose_lhs_hint = false} : vector<32x64xf32>, vector<64x3248xf32>, vector<32x3248xf32> -> vector<32x3248xf32>
    %add3A_194 = arith.addf %add3A_180, %dot_general3A_193 : vector<32x3248xf32>
    %get3A_195 = arith.constant 0 : index
    %get3A_196 = arith.constant 0 : index
    %get3A_197 = vector.load %arg3[%get3A_195, %get3A_196] : memref<32x1xf32, #tpu.memory_space<vmem>>, vector<32x1xf32>
    %add3A_198 = vector.broadcast %get3A_197 : vector<32x1xf32> to vector<32x3248xf32>
    %add3A_199 = arith.addf %add3A_194, %add3A_198 : vector<32x3248xf32>
    %swap3A_200 = arith.constant 0 : index
    %swap3A_201 = arith.constant 1 : index
    %swap3A_202 = arith.constant 0 : index
    %swap3A_203 = arith.constant 0 : index
    %swap3A_204 = arith.constant 0 : index
    %swap3A_205 = vector.load %arg4[%swap3A_200, %swap3A_201, %swap3A_202, %swap3A_203, %swap3A_204] : memref<1x2x2x32x3248xf32, #tpu.memory_space<vmem>>, vector<1x1x1x32x3248xf32>
    %swap3A_206 = vector.shape_cast %swap3A_205 : vector<1x1x1x32x3248xf32> to vector<32x3248xf32>
    %swap3A_207 = vector.shape_cast %add3A_199 : vector<32x3248xf32> to vector<1x1x1x32x3248xf32>
    tpu.vector_store %arg4[%swap3A_200, %swap3A_201, %swap3A_202, %swap3A_203, %swap3A_204], %swap3A_207 {strides = array<i32>} : memref<1x2x2x32x3248xf32, #tpu.memory_space<vmem>>, vector<1x1x1x32x3248xf32>,
    %broadcast_in_dim3A_208 = arith.constant 0.000000e+00 : f32
    %broadcast_in_dim3A_209 = vector.broadcast %broadcast_in_dim3A_208 : f32 to vector<32x3248xf32>
    %get3A_210 = arith.constant 0 : index
    %get3A_211 = arith.constant 0 : index
    %get3A_212 = arith.constant 118 : index
    %get3A_213 = vector.load %arg1[%get3A_210, %get3A_211, %get3A_212] : memref<1x64x3372xf32, #tpu.memory_space<vmem>>, vector<1x64x3248xf32>
    %get3A_214 = vector.shape_cast %get3A_213 : vector<1x64x3248xf32> to vector<64x3248xf32>
    %get3A_215 = arith.constant 0 : index
    %get3A_216 = arith.constant 0 : index
    %get3A_217 = arith.constant 0 : index
    %get3A_218 = arith.constant 0 : index
    %get3A_219 = vector.load %arg2[%get3A_215, %get3A_216, %get3A_217, %get3A_218] : memref<4x4x32x64xf32, #tpu.memory_space<vmem>>, vector<1x1x32x64xf32>
    %get3A_220 = vector.shape_cast %get3A_219 : vector<1x1x32x64xf32> to vector<32x64xf32>
    %dot_general3A_221 = arith.constant dense<0.000000e+00> : vector<32x3248xf32>
    %dot_general3A_222 = tpu.matmul %get3A_220, %get3A_214, %dot_general3A_221 {dimension_numbers = #tpu.dot_dimension_numbers<[1], [0], [0], [1], [0, 0, 1, 1], [], []>, transpose_lhs_hint = false} : vector<32x64xf32>, vector<64x3248xf32>, vector<32x3248xf32> -> vector<32x3248xf32>
    %add3A_223 = arith.addf %broadcast_in_dim3A_209, %dot_general3A_222 : vector<32x3248xf32>
    %get3A_224 = arith.constant 0 : index
    %get3A_225 = arith.constant 0 : index
    %get3A_226 = arith.constant 117 : index
    %get3A_227 = vector.load %arg1[%get3A_224, %get3A_225, %get3A_226] : memref<1x64x3372xf32, #tpu.memory_space<vmem>>, vector<1x64x3248xf32>
    %get3A_228 = vector.shape_cast %get3A_227 : vector<1x64x3248xf32> to vector<64x3248xf32>
    %get3A_229 = arith.constant 0 : index
    %get3A_230 = arith.constant 2 : index
    %get3A_231 = arith.constant 0 : index
    %get3A_232 = arith.constant 0 : index
    %get3A_233 = vector.load %arg2[%get3A_229, %get3A_230, %get3A_231, %get3A_232] : memref<4x4x32x64xf32, #tpu.memory_space<vmem>>, vector<1x1x32x64xf32>
    %get3A_234 = vector.shape_cast %get3A_233 : vector<1x1x32x64xf32> to vector<32x64xf32>
    %dot_general3A_235 = arith.constant dense<0.000000e+00> : vector<32x3248xf32>
    %dot_general3A_236 = tpu.matmul %get3A_234, %get3A_228, %dot_general3A_235 {dimension_numbers = #tpu.dot_dimension_numbers<[1], [0], [0], [1], [0, 0, 1, 1], [], []>, transpose_lhs_hint = false} : vector<32x64xf32>, vector<64x3248xf32>, vector<32x3248xf32> -> vector<32x3248xf32>
    %add3A_237 = arith.addf %add3A_223, %dot_general3A_236 : vector<32x3248xf32>
    %get3A_238 = arith.constant 0 : index
    %get3A_239 = arith.constant 0 : index
    %get3A_240 = arith.constant 60 : index
    %get3A_241 = vector.load %arg1[%get3A_238, %get3A_239, %get3A_240] : memref<1x64x3372xf32, #tpu.memory_space<vmem>>, vector<1x64x3248xf32>
    %get3A_242 = vector.shape_cast %get3A_241 : vector<1x64x3248xf32> to vector<64x3248xf32>
    %get3A_243 = arith.constant 2 : index
    %get3A_244 = arith.constant 0 : index
    %get3A_245 = arith.constant 0 : index
    %get3A_246 = arith.constant 0 : index
    %get3A_247 = vector.load %arg2[%get3A_243, %get3A_244, %get3A_245, %get3A_246] : memref<4x4x32x64xf32, #tpu.memory_space<vmem>>, vector<1x1x32x64xf32>
    %get3A_248 = vector.shape_cast %get3A_247 : vector<1x1x32x64xf32> to vector<32x64xf32>
    %dot_general3A_249 = arith.constant dense<0.000000e+00> : vector<32x3248xf32>
    %dot_general3A_250 = tpu.matmul %get3A_248, %get3A_242, %dot_general3A_249 {dimension_numbers = #tpu.dot_dimension_numbers<[1], [0], [0], [1], [0, 0, 1, 1], [], []>, transpose_lhs_hint = false} : vector<32x64xf32>, vector<64x3248xf32>, vector<32x3248xf32> -> vector<32x3248xf32>
    %add3A_251 = arith.addf %add3A_237, %dot_general3A_250 : vector<32x3248xf32>
    %get3A_252 = arith.constant 0 : index
    %get3A_253 = arith.constant 0 : index
    %get3A_254 = arith.constant 59 : index
    %get3A_255 = vector.load %arg1[%get3A_252, %get3A_253, %get3A_254] : memref<1x64x3372xf32, #tpu.memory_space<vmem>>, vector<1x64x3248xf32>
    %get3A_256 = vector.shape_cast %get3A_255 : vector<1x64x3248xf32> to vector<64x3248xf32>
    %get3A_257 = arith.constant 2 : index
    %get3A_258 = arith.constant 2 : index
    %get3A_259 = arith.constant 0 : index
    %get3A_260 = arith.constant 0 : index
    %get3A_261 = vector.load %arg2[%get3A_257, %get3A_258, %get3A_259, %get3A_260] : memref<4x4x32x64xf32, #tpu.memory_space<vmem>>, vector<1x1x32x64xf32>
    %get3A_262 = vector.shape_cast %get3A_261 : vector<1x1x32x64xf32> to vector<32x64xf32>
    %dot_general3A_263 = arith.constant dense<0.000000e+00> : vector<32x3248xf32>
    %dot_general3A_264 = tpu.matmul %get3A_262, %get3A_256, %dot_general3A_263 {dimension_numbers = #tpu.dot_dimension_numbers<[1], [0], [0], [1], [0, 0, 1, 1], [], []>, transpose_lhs_hint = false} : vector<32x64xf32>, vector<64x3248xf32>, vector<32x3248xf32> -> vector<32x3248xf32>
    %add3A_265 = arith.addf %add3A_251, %dot_general3A_264 : vector<32x3248xf32>
    %get3A_266 = arith.constant 0 : index
    %get3A_267 = arith.constant 0 : index
    %get3A_268 = vector.load %arg3[%get3A_266, %get3A_267] : memref<32x1xf32, #tpu.memory_space<vmem>>, vector<32x1xf32>
    %add3A_269 = vector.broadcast %get3A_268 : vector<32x1xf32> to vector<32x3248xf32>
    %add3A_270 = arith.addf %add3A_265, %add3A_269 : vector<32x3248xf32>
    %swap3A_271 = arith.constant 0 : index
    %swap3A_272 = arith.constant 1 : index
    %swap3A_273 = arith.constant 1 : index
    %swap3A_274 = arith.constant 0 : index
    %swap3A_275 = arith.constant 0 : index
    %swap3A_276 = vector.load %arg4[%swap3A_271, %swap3A_272, %swap3A_273, %swap3A_274, %swap3A_275] : memref<1x2x2x32x3248xf32, #tpu.memory_space<vmem>>, vector<1x1x1x32x3248xf32>
    %swap3A_277 = vector.shape_cast %swap3A_276 : vector<1x1x1x32x3248xf32> to vector<32x3248xf32>
    %swap3A_278 = vector.shape_cast %add3A_270 : vector<32x3248xf32> to vector<1x1x1x32x3248xf32>
    tpu.vector_store %arg4[%swap3A_271, %swap3A_272, %swap3A_273, %swap3A_274, %swap3A_275], %swap3A_278 {strides = array<i32>} : memref<1x2x2x32x3248xf32, #tpu.memory_space<vmem>>, vector<1x1x1x32x3248xf32>,
    return
  }
  func.func @transform_0(%arg0: i32) -> (i32, i32, i32) {
    %c0_i32 = arith.constant 0 : i32
    %c0_i32_0 = arith.constant 0 : i32
    %c0_i32_1 = arith.constant 0 : i32
    return %arg0, %c0_i32, %c0_i32_0 : i32, i32, i32
  }
  func.func @transform_1(%arg0: i32) -> (i32, i32, i32, i32) {
    %c0_i32 = arith.constant 0 : i32
    %c0_i32_0 = arith.constant 0 : i32
    %c0_i32_1 = arith.constant 0 : i32
    %c0_i32_2 = arith.constant 0 : i32
    %c0_i32_3 = arith.constant 0 : i32
    return %c0_i32, %c0_i32_0, %c0_i32_1, %c0_i32_2 : i32, i32, i32, i32
  }
  func.func @transform_2(%arg0: i32) -> (i32, i32) {
    %c0_i32 = arith.constant 0 : i32
    %c0_i32_0 = arith.constant 0 : i32
    %c0_i32_1 = arith.constant 0 : i32
    return %c0_i32, %c0_i32_0 : i32, i32
  }
  func.func @transform_3(%arg0: i32) -> (i32, i32, i32, i32, i32) {
    %c0_i32 = arith.constant 0 : i32
    %c0_i32_0 = arith.constant 0 : i32
    %c0_i32_1 = arith.constant 0 : i32
    %c0_i32_2 = arith.constant 0 : i32
    %c0_i32_3 = arith.constant 0 : i32
    return %arg0, %c0_i32, %c0_i32_0, %c0_i32_1, %c0_i32_2 : i32, i32, i32, i32, i32
  }
}

module attributes {stable_mosaic.version = 14 : i64} {
  func.func @body(%arg0: i32, %arg1: memref<1x32x13004xf32, #tpu.memory_space<vmem>>, %arg2: memref<4x4x16x32xf32, #tpu.memory_space<vmem>>, %arg3: memref<16x1xf32, #tpu.memory_space<vmem>>, %arg4: memref<1x2x2x16x12768xf32, #tpu.memory_space<vmem>>) attributes {dimension_semantics = [#tpu.dimension_semantics<arbitrary>], iteration_bounds = array<i64: 4>, scalar_prefetch = 0 : i64, scratch_operands = 0 : i64, tpu.core_type = #tpu.core_type<tc>, window_params = [{transform_indices = @transform_0, window_bounds = array<i64: 1, 32, 13004>}, {pipeline_mode = #tpu.pipeline_mode<synchronous>, transform_indices = @transform_1, window_bounds = array<i64: 4, 4, 16, 32>}, {pipeline_mode = #tpu.pipeline_mode<synchronous>, transform_indices = @transform_2, window_bounds = array<i64: 16, 1>}, {transform_indices = @transform_3, window_bounds = array<i64: 1, 2, 2, 16, 12768>}]} {
    %broadcast_in_dim3A = arith.constant 0.000000e+00 : f32
    %broadcast_in_dim3A_0 = vector.broadcast %broadcast_in_dim3A : f32 to vector<16x12768xf32>
    %get3A = arith.constant 0 : index
    %get3A_1 = arith.constant 0 : index
    %get3A_2 = arith.constant 115 : index
    %get3A_3 = vector.load %arg1[%get3A, %get3A_1, %get3A_2] : memref<1x32x13004xf32, #tpu.memory_space<vmem>>, vector<1x32x12768xf32>
    %get3A_4 = vector.shape_cast %get3A_3 : vector<1x32x12768xf32> to vector<32x12768xf32>
    %get3A_5 = arith.constant 1 : index
    %get3A_6 = arith.constant 1 : index
    %get3A_7 = arith.constant 0 : index
    %get3A_8 = arith.constant 0 : index
    %get3A_9 = vector.load %arg2[%get3A_5, %get3A_6, %get3A_7, %get3A_8] : memref<4x4x16x32xf32, #tpu.memory_space<vmem>>, vector<1x1x16x32xf32>
    %get3A_10 = vector.shape_cast %get3A_9 : vector<1x1x16x32xf32> to vector<16x32xf32>
    %dot_general3A = arith.constant dense<0.000000e+00> : vector<16x12768xf32>
    %dot_general3A_11 = tpu.matmul %get3A_10, %get3A_4, %dot_general3A {dimension_numbers = #tpu.dot_dimension_numbers<[1], [0], [0], [1], [0, 0, 1, 1], [], []>, transpose_lhs_hint = false} : vector<16x32xf32>, vector<32x12768xf32>, vector<16x12768xf32> -> vector<16x12768xf32>
    %add3A = arith.addf %broadcast_in_dim3A_0, %dot_general3A_11 : vector<16x12768xf32>
    %get3A_12 = arith.constant 0 : index
    %get3A_13 = arith.constant 0 : index
    %get3A_14 = arith.constant 114 : index
    %get3A_15 = vector.load %arg1[%get3A_12, %get3A_13, %get3A_14] : memref<1x32x13004xf32, #tpu.memory_space<vmem>>, vector<1x32x12768xf32>
    %get3A_16 = vector.shape_cast %get3A_15 : vector<1x32x12768xf32> to vector<32x12768xf32>
    %get3A_17 = arith.constant 1 : index
    %get3A_18 = arith.constant 3 : index
    %get3A_19 = arith.constant 0 : index
    %get3A_20 = arith.constant 0 : index
    %get3A_21 = vector.load %arg2[%get3A_17, %get3A_18, %get3A_19, %get3A_20] : memref<4x4x16x32xf32, #tpu.memory_space<vmem>>, vector<1x1x16x32xf32>
    %get3A_22 = vector.shape_cast %get3A_21 : vector<1x1x16x32xf32> to vector<16x32xf32>
    %dot_general3A_23 = arith.constant dense<0.000000e+00> : vector<16x12768xf32>
    %dot_general3A_24 = tpu.matmul %get3A_22, %get3A_16, %dot_general3A_23 {dimension_numbers = #tpu.dot_dimension_numbers<[1], [0], [0], [1], [0, 0, 1, 1], [], []>, transpose_lhs_hint = false} : vector<16x32xf32>, vector<32x12768xf32>, vector<16x12768xf32> -> vector<16x12768xf32>
    %add3A_25 = arith.addf %add3A, %dot_general3A_24 : vector<16x12768xf32>
    %get3A_26 = arith.constant 0 : index
    %get3A_27 = arith.constant 0 : index
    %get3A_28 = arith.constant 1 : index
    %get3A_29 = vector.load %arg1[%get3A_26, %get3A_27, %get3A_28] : memref<1x32x13004xf32, #tpu.memory_space<vmem>>, vector<1x32x12768xf32>
    %get3A_30 = vector.shape_cast %get3A_29 : vector<1x32x12768xf32> to vector<32x12768xf32>
    %get3A_31 = arith.constant 3 : index
    %get3A_32 = arith.constant 1 : index
    %get3A_33 = arith.constant 0 : index
    %get3A_34 = arith.constant 0 : index
    %get3A_35 = vector.load %arg2[%get3A_31, %get3A_32, %get3A_33, %get3A_34] : memref<4x4x16x32xf32, #tpu.memory_space<vmem>>, vector<1x1x16x32xf32>
    %get3A_36 = vector.shape_cast %get3A_35 : vector<1x1x16x32xf32> to vector<16x32xf32>
    %dot_general3A_37 = arith.constant dense<0.000000e+00> : vector<16x12768xf32>
    %dot_general3A_38 = tpu.matmul %get3A_36, %get3A_30, %dot_general3A_37 {dimension_numbers = #tpu.dot_dimension_numbers<[1], [0], [0], [1], [0, 0, 1, 1], [], []>, transpose_lhs_hint = false} : vector<16x32xf32>, vector<32x12768xf32>, vector<16x12768xf32> -> vector<16x12768xf32>
    %add3A_39 = arith.addf %add3A_25, %dot_general3A_38 : vector<16x12768xf32>
    %get3A_40 = arith.constant 0 : index
    %get3A_41 = arith.constant 0 : index
    %get3A_42 = arith.constant 0 : index
    %get3A_43 = vector.load %arg1[%get3A_40, %get3A_41, %get3A_42] : memref<1x32x13004xf32, #tpu.memory_space<vmem>>, vector<1x32x12768xf32>
    %get3A_44 = vector.shape_cast %get3A_43 : vector<1x32x12768xf32> to vector<32x12768xf32>
    %get3A_45 = arith.constant 3 : index
    %get3A_46 = arith.constant 3 : index
    %get3A_47 = arith.constant 0 : index
    %get3A_48 = arith.constant 0 : index
    %get3A_49 = vector.load %arg2[%get3A_45, %get3A_46, %get3A_47, %get3A_48] : memref<4x4x16x32xf32, #tpu.memory_space<vmem>>, vector<1x1x16x32xf32>
    %get3A_50 = vector.shape_cast %get3A_49 : vector<1x1x16x32xf32> to vector<16x32xf32>
    %dot_general3A_51 = arith.constant dense<0.000000e+00> : vector<16x12768xf32>
    %dot_general3A_52 = tpu.matmul %get3A_50, %get3A_44, %dot_general3A_51 {dimension_numbers = #tpu.dot_dimension_numbers<[1], [0], [0], [1], [0, 0, 1, 1], [], []>, transpose_lhs_hint = false} : vector<16x32xf32>, vector<32x12768xf32>, vector<16x12768xf32> -> vector<16x12768xf32>
    %add3A_53 = arith.addf %add3A_39, %dot_general3A_52 : vector<16x12768xf32>
    %get3A_54 = arith.constant 0 : index
    %get3A_55 = arith.constant 0 : index
    %get3A_56 = vector.load %arg3[%get3A_54, %get3A_55] : memref<16x1xf32, #tpu.memory_space<vmem>>, vector<16x1xf32>
    %add3A_57 = vector.broadcast %get3A_56 : vector<16x1xf32> to vector<16x12768xf32>
    %add3A_58 = arith.addf %add3A_53, %add3A_57 : vector<16x12768xf32>
    %max3A = arith.constant 0.000000e+00 : f32
    %max3A_59 = vector.broadcast %max3A : f32 to vector<16x12768xf32>
    %max3A_60 = arith.maximumf %add3A_58, %max3A_59 : vector<16x12768xf32>
    %swap3A = arith.constant 0 : index
    %swap3A_61 = arith.constant 0 : index
    %swap3A_62 = arith.constant 0 : index
    %swap3A_63 = arith.constant 0 : index
    %swap3A_64 = arith.constant 0 : index
    %swap3A_65 = vector.load %arg4[%swap3A, %swap3A_61, %swap3A_62, %swap3A_63, %swap3A_64] : memref<1x2x2x16x12768xf32, #tpu.memory_space<vmem>>, vector<1x1x1x16x12768xf32>
    %swap3A_66 = vector.shape_cast %swap3A_65 : vector<1x1x1x16x12768xf32> to vector<16x12768xf32>
    %swap3A_67 = vector.shape_cast %max3A_60 : vector<16x12768xf32> to vector<1x1x1x16x12768xf32>
    tpu.vector_store %arg4[%swap3A, %swap3A_61, %swap3A_62, %swap3A_63, %swap3A_64], %swap3A_67 {strides = array<i32>} : memref<1x2x2x16x12768xf32, #tpu.memory_space<vmem>>, vector<1x1x1x16x12768xf32>,
    %broadcast_in_dim3A_68 = arith.constant 0.000000e+00 : f32
    %broadcast_in_dim3A_69 = vector.broadcast %broadcast_in_dim3A_68 : f32 to vector<16x12768xf32>
    %get3A_70 = arith.constant 0 : index
    %get3A_71 = arith.constant 0 : index
    %get3A_72 = arith.constant 116 : index
    %get3A_73 = vector.load %arg1[%get3A_70, %get3A_71, %get3A_72] : memref<1x32x13004xf32, #tpu.memory_space<vmem>>, vector<1x32x12768xf32>
    %get3A_74 = vector.shape_cast %get3A_73 : vector<1x32x12768xf32> to vector<32x12768xf32>
    %get3A_75 = arith.constant 1 : index
    %get3A_76 = arith.constant 0 : index
    %get3A_77 = arith.constant 0 : index
    %get3A_78 = arith.constant 0 : index
    %get3A_79 = vector.load %arg2[%get3A_75, %get3A_76, %get3A_77, %get3A_78] : memref<4x4x16x32xf32, #tpu.memory_space<vmem>>, vector<1x1x16x32xf32>
    %get3A_80 = vector.shape_cast %get3A_79 : vector<1x1x16x32xf32> to vector<16x32xf32>
    %dot_general3A_81 = arith.constant dense<0.000000e+00> : vector<16x12768xf32>
    %dot_general3A_82 = tpu.matmul %get3A_80, %get3A_74, %dot_general3A_81 {dimension_numbers = #tpu.dot_dimension_numbers<[1], [0], [0], [1], [0, 0, 1, 1], [], []>, transpose_lhs_hint = false} : vector<16x32xf32>, vector<32x12768xf32>, vector<16x12768xf32> -> vector<16x12768xf32>
    %add3A_83 = arith.addf %broadcast_in_dim3A_69, %dot_general3A_82 : vector<16x12768xf32>
    %get3A_84 = arith.constant 0 : index
    %get3A_85 = arith.constant 0 : index
    %get3A_86 = arith.constant 115 : index
    %get3A_87 = vector.load %arg1[%get3A_84, %get3A_85, %get3A_86] : memref<1x32x13004xf32, #tpu.memory_space<vmem>>, vector<1x32x12768xf32>
    %get3A_88 = vector.shape_cast %get3A_87 : vector<1x32x12768xf32> to vector<32x12768xf32>
    %get3A_89 = arith.constant 1 : index
    %get3A_90 = arith.constant 2 : index
    %get3A_91 = arith.constant 0 : index
    %get3A_92 = arith.constant 0 : index
    %get3A_93 = vector.load %arg2[%get3A_89, %get3A_90, %get3A_91, %get3A_92] : memref<4x4x16x32xf32, #tpu.memory_space<vmem>>, vector<1x1x16x32xf32>
    %get3A_94 = vector.shape_cast %get3A_93 : vector<1x1x16x32xf32> to vector<16x32xf32>
    %dot_general3A_95 = arith.constant dense<0.000000e+00> : vector<16x12768xf32>
    %dot_general3A_96 = tpu.matmul %get3A_94, %get3A_88, %dot_general3A_95 {dimension_numbers = #tpu.dot_dimension_numbers<[1], [0], [0], [1], [0, 0, 1, 1], [], []>, transpose_lhs_hint = false} : vector<16x32xf32>, vector<32x12768xf32>, vector<16x12768xf32> -> vector<16x12768xf32>
    %add3A_97 = arith.addf %add3A_83, %dot_general3A_96 : vector<16x12768xf32>
    %get3A_98 = arith.constant 0 : index
    %get3A_99 = arith.constant 0 : index
    %get3A_100 = arith.constant 2 : index
    %get3A_101 = vector.load %arg1[%get3A_98, %get3A_99, %get3A_100] : memref<1x32x13004xf32, #tpu.memory_space<vmem>>, vector<1x32x12768xf32>
    %get3A_102 = vector.shape_cast %get3A_101 : vector<1x32x12768xf32> to vector<32x12768xf32>
    %get3A_103 = arith.constant 3 : index
    %get3A_104 = arith.constant 0 : index
    %get3A_105 = arith.constant 0 : index
    %get3A_106 = arith.constant 0 : index
    %get3A_107 = vector.load %arg2[%get3A_103, %get3A_104, %get3A_105, %get3A_106] : memref<4x4x16x32xf32, #tpu.memory_space<vmem>>, vector<1x1x16x32xf32>
    %get3A_108 = vector.shape_cast %get3A_107 : vector<1x1x16x32xf32> to vector<16x32xf32>
    %dot_general3A_109 = arith.constant dense<0.000000e+00> : vector<16x12768xf32>
    %dot_general3A_110 = tpu.matmul %get3A_108, %get3A_102, %dot_general3A_109 {dimension_numbers = #tpu.dot_dimension_numbers<[1], [0], [0], [1], [0, 0, 1, 1], [], []>, transpose_lhs_hint = false} : vector<16x32xf32>, vector<32x12768xf32>, vector<16x12768xf32> -> vector<16x12768xf32>
    %add3A_111 = arith.addf %add3A_97, %dot_general3A_110 : vector<16x12768xf32>
    %get3A_112 = arith.constant 0 : index
    %get3A_113 = arith.constant 0 : index
    %get3A_114 = arith.constant 1 : index
    %get3A_115 = vector.load %arg1[%get3A_112, %get3A_113, %get3A_114] : memref<1x32x13004xf32, #tpu.memory_space<vmem>>, vector<1x32x12768xf32>
    %get3A_116 = vector.shape_cast %get3A_115 : vector<1x32x12768xf32> to vector<32x12768xf32>
    %get3A_117 = arith.constant 3 : index
    %get3A_118 = arith.constant 2 : index
    %get3A_119 = arith.constant 0 : index
    %get3A_120 = arith.constant 0 : index
    %get3A_121 = vector.load %arg2[%get3A_117, %get3A_118, %get3A_119, %get3A_120] : memref<4x4x16x32xf32, #tpu.memory_space<vmem>>, vector<1x1x16x32xf32>
    %get3A_122 = vector.shape_cast %get3A_121 : vector<1x1x16x32xf32> to vector<16x32xf32>
    %dot_general3A_123 = arith.constant dense<0.000000e+00> : vector<16x12768xf32>
    %dot_general3A_124 = tpu.matmul %get3A_122, %get3A_116, %dot_general3A_123 {dimension_numbers = #tpu.dot_dimension_numbers<[1], [0], [0], [1], [0, 0, 1, 1], [], []>, transpose_lhs_hint = false} : vector<16x32xf32>, vector<32x12768xf32>, vector<16x12768xf32> -> vector<16x12768xf32>
    %add3A_125 = arith.addf %add3A_111, %dot_general3A_124 : vector<16x12768xf32>
    %get3A_126 = arith.constant 0 : index
    %get3A_127 = arith.constant 0 : index
    %get3A_128 = vector.load %arg3[%get3A_126, %get3A_127] : memref<16x1xf32, #tpu.memory_space<vmem>>, vector<16x1xf32>
    %add3A_129 = vector.broadcast %get3A_128 : vector<16x1xf32> to vector<16x12768xf32>
    %add3A_130 = arith.addf %add3A_125, %add3A_129 : vector<16x12768xf32>
    %max3A_131 = arith.constant 0.000000e+00 : f32
    %max3A_132 = vector.broadcast %max3A_131 : f32 to vector<16x12768xf32>
    %max3A_133 = arith.maximumf %add3A_130, %max3A_132 : vector<16x12768xf32>
    %swap3A_134 = arith.constant 0 : index
    %swap3A_135 = arith.constant 0 : index
    %swap3A_136 = arith.constant 1 : index
    %swap3A_137 = arith.constant 0 : index
    %swap3A_138 = arith.constant 0 : index
    %swap3A_139 = vector.load %arg4[%swap3A_134, %swap3A_135, %swap3A_136, %swap3A_137, %swap3A_138] : memref<1x2x2x16x12768xf32, #tpu.memory_space<vmem>>, vector<1x1x1x16x12768xf32>
    %swap3A_140 = vector.shape_cast %swap3A_139 : vector<1x1x1x16x12768xf32> to vector<16x12768xf32>
    %swap3A_141 = vector.shape_cast %max3A_133 : vector<16x12768xf32> to vector<1x1x1x16x12768xf32>
    tpu.vector_store %arg4[%swap3A_134, %swap3A_135, %swap3A_136, %swap3A_137, %swap3A_138], %swap3A_141 {strides = array<i32>} : memref<1x2x2x16x12768xf32, #tpu.memory_space<vmem>>, vector<1x1x1x16x12768xf32>,
    %broadcast_in_dim3A_142 = arith.constant 0.000000e+00 : f32
    %broadcast_in_dim3A_143 = vector.broadcast %broadcast_in_dim3A_142 : f32 to vector<16x12768xf32>
    %get3A_144 = arith.constant 0 : index
    %get3A_145 = arith.constant 0 : index
    %get3A_146 = arith.constant 229 : index
    %get3A_147 = vector.load %arg1[%get3A_144, %get3A_145, %get3A_146] : memref<1x32x13004xf32, #tpu.memory_space<vmem>>, vector<1x32x12768xf32>
    %get3A_148 = vector.shape_cast %get3A_147 : vector<1x32x12768xf32> to vector<32x12768xf32>
    %get3A_149 = arith.constant 0 : index
    %get3A_150 = arith.constant 1 : index
    %get3A_151 = arith.constant 0 : index
    %get3A_152 = arith.constant 0 : index
    %get3A_153 = vector.load %arg2[%get3A_149, %get3A_150, %get3A_151, %get3A_152] : memref<4x4x16x32xf32, #tpu.memory_space<vmem>>, vector<1x1x16x32xf32>
    %get3A_154 = vector.shape_cast %get3A_153 : vector<1x1x16x32xf32> to vector<16x32xf32>
    %dot_general3A_155 = arith.constant dense<0.000000e+00> : vector<16x12768xf32>
    %dot_general3A_156 = tpu.matmul %get3A_154, %get3A_148, %dot_general3A_155 {dimension_numbers = #tpu.dot_dimension_numbers<[1], [0], [0], [1], [0, 0, 1, 1], [], []>, transpose_lhs_hint = false} : vector<16x32xf32>, vector<32x12768xf32>, vector<16x12768xf32> -> vector<16x12768xf32>
    %add3A_157 = arith.addf %broadcast_in_dim3A_143, %dot_general3A_156 : vector<16x12768xf32>
    %get3A_158 = arith.constant 0 : index
    %get3A_159 = arith.constant 0 : index
    %get3A_160 = arith.constant 228 : index
    %get3A_161 = vector.load %arg1[%get3A_158, %get3A_159, %get3A_160] : memref<1x32x13004xf32, #tpu.memory_space<vmem>>, vector<1x32x12768xf32>
    %get3A_162 = vector.shape_cast %get3A_161 : vector<1x32x12768xf32> to vector<32x12768xf32>
    %get3A_163 = arith.constant 0 : index
    %get3A_164 = arith.constant 3 : index
    %get3A_165 = arith.constant 0 : index
    %get3A_166 = arith.constant 0 : index
    %get3A_167 = vector.load %arg2[%get3A_163, %get3A_164, %get3A_165, %get3A_166] : memref<4x4x16x32xf32, #tpu.memory_space<vmem>>, vector<1x1x16x32xf32>
    %get3A_168 = vector.shape_cast %get3A_167 : vector<1x1x16x32xf32> to vector<16x32xf32>
    %dot_general3A_169 = arith.constant dense<0.000000e+00> : vector<16x12768xf32>
    %dot_general3A_170 = tpu.matmul %get3A_168, %get3A_162, %dot_general3A_169 {dimension_numbers = #tpu.dot_dimension_numbers<[1], [0], [0], [1], [0, 0, 1, 1], [], []>, transpose_lhs_hint = false} : vector<16x32xf32>, vector<32x12768xf32>, vector<16x12768xf32> -> vector<16x12768xf32>
    %add3A_171 = arith.addf %add3A_157, %dot_general3A_170 : vector<16x12768xf32>
    %get3A_172 = arith.constant 0 : index
    %get3A_173 = arith.constant 0 : index
    %get3A_174 = arith.constant 115 : index
    %get3A_175 = vector.load %arg1[%get3A_172, %get3A_173, %get3A_174] : memref<1x32x13004xf32, #tpu.memory_space<vmem>>, vector<1x32x12768xf32>
    %get3A_176 = vector.shape_cast %get3A_175 : vector<1x32x12768xf32> to vector<32x12768xf32>
    %get3A_177 = arith.constant 2 : index
    %get3A_178 = arith.constant 1 : index
    %get3A_179 = arith.constant 0 : index
    %get3A_180 = arith.constant 0 : index
    %get3A_181 = vector.load %arg2[%get3A_177, %get3A_178, %get3A_179, %get3A_180] : memref<4x4x16x32xf32, #tpu.memory_space<vmem>>, vector<1x1x16x32xf32>
    %get3A_182 = vector.shape_cast %get3A_181 : vector<1x1x16x32xf32> to vector<16x32xf32>
    %dot_general3A_183 = arith.constant dense<0.000000e+00> : vector<16x12768xf32>
    %dot_general3A_184 = tpu.matmul %get3A_182, %get3A_176, %dot_general3A_183 {dimension_numbers = #tpu.dot_dimension_numbers<[1], [0], [0], [1], [0, 0, 1, 1], [], []>, transpose_lhs_hint = false} : vector<16x32xf32>, vector<32x12768xf32>, vector<16x12768xf32> -> vector<16x12768xf32>
    %add3A_185 = arith.addf %add3A_171, %dot_general3A_184 : vector<16x12768xf32>
    %get3A_186 = arith.constant 0 : index
    %get3A_187 = arith.constant 0 : index
    %get3A_188 = arith.constant 114 : index
    %get3A_189 = vector.load %arg1[%get3A_186, %get3A_187, %get3A_188] : memref<1x32x13004xf32, #tpu.memory_space<vmem>>, vector<1x32x12768xf32>
    %get3A_190 = vector.shape_cast %get3A_189 : vector<1x32x12768xf32> to vector<32x12768xf32>
    %get3A_191 = arith.constant 2 : index
    %get3A_192 = arith.constant 3 : index
    %get3A_193 = arith.constant 0 : index
    %get3A_194 = arith.constant 0 : index
    %get3A_195 = vector.load %arg2[%get3A_191, %get3A_192, %get3A_193, %get3A_194] : memref<4x4x16x32xf32, #tpu.memory_space<vmem>>, vector<1x1x16x32xf32>
    %get3A_196 = vector.shape_cast %get3A_195 : vector<1x1x16x32xf32> to vector<16x32xf32>
    %dot_general3A_197 = arith.constant dense<0.000000e+00> : vector<16x12768xf32>
    %dot_general3A_198 = tpu.matmul %get3A_196, %get3A_190, %dot_general3A_197 {dimension_numbers = #tpu.dot_dimension_numbers<[1], [0], [0], [1], [0, 0, 1, 1], [], []>, transpose_lhs_hint = false} : vector<16x32xf32>, vector<32x12768xf32>, vector<16x12768xf32> -> vector<16x12768xf32>
    %add3A_199 = arith.addf %add3A_185, %dot_general3A_198 : vector<16x12768xf32>
    %get3A_200 = arith.constant 0 : index
    %get3A_201 = arith.constant 0 : index
    %get3A_202 = vector.load %arg3[%get3A_200, %get3A_201] : memref<16x1xf32, #tpu.memory_space<vmem>>, vector<16x1xf32>
    %add3A_203 = vector.broadcast %get3A_202 : vector<16x1xf32> to vector<16x12768xf32>
    %add3A_204 = arith.addf %add3A_199, %add3A_203 : vector<16x12768xf32>
    %max3A_205 = arith.constant 0.000000e+00 : f32
    %max3A_206 = vector.broadcast %max3A_205 : f32 to vector<16x12768xf32>
    %max3A_207 = arith.maximumf %add3A_204, %max3A_206 : vector<16x12768xf32>
    %swap3A_208 = arith.constant 0 : index
    %swap3A_209 = arith.constant 1 : index
    %swap3A_210 = arith.constant 0 : index
    %swap3A_211 = arith.constant 0 : index
    %swap3A_212 = arith.constant 0 : index
    %swap3A_213 = vector.load %arg4[%swap3A_208, %swap3A_209, %swap3A_210, %swap3A_211, %swap3A_212] : memref<1x2x2x16x12768xf32, #tpu.memory_space<vmem>>, vector<1x1x1x16x12768xf32>
    %swap3A_214 = vector.shape_cast %swap3A_213 : vector<1x1x1x16x12768xf32> to vector<16x12768xf32>
    %swap3A_215 = vector.shape_cast %max3A_207 : vector<16x12768xf32> to vector<1x1x1x16x12768xf32>
    tpu.vector_store %arg4[%swap3A_208, %swap3A_209, %swap3A_210, %swap3A_211, %swap3A_212], %swap3A_215 {strides = array<i32>} : memref<1x2x2x16x12768xf32, #tpu.memory_space<vmem>>, vector<1x1x1x16x12768xf32>,
    %broadcast_in_dim3A_216 = arith.constant 0.000000e+00 : f32
    %broadcast_in_dim3A_217 = vector.broadcast %broadcast_in_dim3A_216 : f32 to vector<16x12768xf32>
    %get3A_218 = arith.constant 0 : index
    %get3A_219 = arith.constant 0 : index
    %get3A_220 = arith.constant 230 : index
    %get3A_221 = vector.load %arg1[%get3A_218, %get3A_219, %get3A_220] : memref<1x32x13004xf32, #tpu.memory_space<vmem>>, vector<1x32x12768xf32>
    %get3A_222 = vector.shape_cast %get3A_221 : vector<1x32x12768xf32> to vector<32x12768xf32>
    %get3A_223 = arith.constant 0 : index
    %get3A_224 = arith.constant 0 : index
    %get3A_225 = arith.constant 0 : index
    %get3A_226 = arith.constant 0 : index
    %get3A_227 = vector.load %arg2[%get3A_223, %get3A_224, %get3A_225, %get3A_226] : memref<4x4x16x32xf32, #tpu.memory_space<vmem>>, vector<1x1x16x32xf32>
    %get3A_228 = vector.shape_cast %get3A_227 : vector<1x1x16x32xf32> to vector<16x32xf32>
    %dot_general3A_229 = arith.constant dense<0.000000e+00> : vector<16x12768xf32>
    %dot_general3A_230 = tpu.matmul %get3A_228, %get3A_222, %dot_general3A_229 {dimension_numbers = #tpu.dot_dimension_numbers<[1], [0], [0], [1], [0, 0, 1, 1], [], []>, transpose_lhs_hint = false} : vector<16x32xf32>, vector<32x12768xf32>, vector<16x12768xf32> -> vector<16x12768xf32>
    %add3A_231 = arith.addf %broadcast_in_dim3A_217, %dot_general3A_230 : vector<16x12768xf32>
    %get3A_232 = arith.constant 0 : index
    %get3A_233 = arith.constant 0 : index
    %get3A_234 = arith.constant 229 : index
    %get3A_235 = vector.load %arg1[%get3A_232, %get3A_233, %get3A_234] : memref<1x32x13004xf32, #tpu.memory_space<vmem>>, vector<1x32x12768xf32>
    %get3A_236 = vector.shape_cast %get3A_235 : vector<1x32x12768xf32> to vector<32x12768xf32>
    %get3A_237 = arith.constant 0 : index
    %get3A_238 = arith.constant 2 : index
    %get3A_239 = arith.constant 0 : index
    %get3A_240 = arith.constant 0 : index
    %get3A_241 = vector.load %arg2[%get3A_237, %get3A_238, %get3A_239, %get3A_240] : memref<4x4x16x32xf32, #tpu.memory_space<vmem>>, vector<1x1x16x32xf32>
    %get3A_242 = vector.shape_cast %get3A_241 : vector<1x1x16x32xf32> to vector<16x32xf32>
    %dot_general3A_243 = arith.constant dense<0.000000e+00> : vector<16x12768xf32>
    %dot_general3A_244 = tpu.matmul %get3A_242, %get3A_236, %dot_general3A_243 {dimension_numbers = #tpu.dot_dimension_numbers<[1], [0], [0], [1], [0, 0, 1, 1], [], []>, transpose_lhs_hint = false} : vector<16x32xf32>, vector<32x12768xf32>, vector<16x12768xf32> -> vector<16x12768xf32>
    %add3A_245 = arith.addf %add3A_231, %dot_general3A_244 : vector<16x12768xf32>
    %get3A_246 = arith.constant 0 : index
    %get3A_247 = arith.constant 0 : index
    %get3A_248 = arith.constant 116 : index
    %get3A_249 = vector.load %arg1[%get3A_246, %get3A_247, %get3A_248] : memref<1x32x13004xf32, #tpu.memory_space<vmem>>, vector<1x32x12768xf32>
    %get3A_250 = vector.shape_cast %get3A_249 : vector<1x32x12768xf32> to vector<32x12768xf32>
    %get3A_251 = arith.constant 2 : index
    %get3A_252 = arith.constant 0 : index
    %get3A_253 = arith.constant 0 : index
    %get3A_254 = arith.constant 0 : index
    %get3A_255 = vector.load %arg2[%get3A_251, %get3A_252, %get3A_253, %get3A_254] : memref<4x4x16x32xf32, #tpu.memory_space<vmem>>, vector<1x1x16x32xf32>
    %get3A_256 = vector.shape_cast %get3A_255 : vector<1x1x16x32xf32> to vector<16x32xf32>
    %dot_general3A_257 = arith.constant dense<0.000000e+00> : vector<16x12768xf32>
    %dot_general3A_258 = tpu.matmul %get3A_256, %get3A_250, %dot_general3A_257 {dimension_numbers = #tpu.dot_dimension_numbers<[1], [0], [0], [1], [0, 0, 1, 1], [], []>, transpose_lhs_hint = false} : vector<16x32xf32>, vector<32x12768xf32>, vector<16x12768xf32> -> vector<16x12768xf32>
    %add3A_259 = arith.addf %add3A_245, %dot_general3A_258 : vector<16x12768xf32>
    %get3A_260 = arith.constant 0 : index
    %get3A_261 = arith.constant 0 : index
    %get3A_262 = arith.constant 115 : index
    %get3A_263 = vector.load %arg1[%get3A_260, %get3A_261, %get3A_262] : memref<1x32x13004xf32, #tpu.memory_space<vmem>>, vector<1x32x12768xf32>
    %get3A_264 = vector.shape_cast %get3A_263 : vector<1x32x12768xf32> to vector<32x12768xf32>
    %get3A_265 = arith.constant 2 : index
    %get3A_266 = arith.constant 2 : index
    %get3A_267 = arith.constant 0 : index
    %get3A_268 = arith.constant 0 : index
    %get3A_269 = vector.load %arg2[%get3A_265, %get3A_266, %get3A_267, %get3A_268] : memref<4x4x16x32xf32, #tpu.memory_space<vmem>>, vector<1x1x16x32xf32>
    %get3A_270 = vector.shape_cast %get3A_269 : vector<1x1x16x32xf32> to vector<16x32xf32>
    %dot_general3A_271 = arith.constant dense<0.000000e+00> : vector<16x12768xf32>
    %dot_general3A_272 = tpu.matmul %get3A_270, %get3A_264, %dot_general3A_271 {dimension_numbers = #tpu.dot_dimension_numbers<[1], [0], [0], [1], [0, 0, 1, 1], [], []>, transpose_lhs_hint = false} : vector<16x32xf32>, vector<32x12768xf32>, vector<16x12768xf32> -> vector<16x12768xf32>
    %add3A_273 = arith.addf %add3A_259, %dot_general3A_272 : vector<16x12768xf32>
    %get3A_274 = arith.constant 0 : index
    %get3A_275 = arith.constant 0 : index
    %get3A_276 = vector.load %arg3[%get3A_274, %get3A_275] : memref<16x1xf32, #tpu.memory_space<vmem>>, vector<16x1xf32>
    %add3A_277 = vector.broadcast %get3A_276 : vector<16x1xf32> to vector<16x12768xf32>
    %add3A_278 = arith.addf %add3A_273, %add3A_277 : vector<16x12768xf32>
    %max3A_279 = arith.constant 0.000000e+00 : f32
    %max3A_280 = vector.broadcast %max3A_279 : f32 to vector<16x12768xf32>
    %max3A_281 = arith.maximumf %add3A_278, %max3A_280 : vector<16x12768xf32>
    %swap3A_282 = arith.constant 0 : index
    %swap3A_283 = arith.constant 1 : index
    %swap3A_284 = arith.constant 1 : index
    %swap3A_285 = arith.constant 0 : index
    %swap3A_286 = arith.constant 0 : index
    %swap3A_287 = vector.load %arg4[%swap3A_282, %swap3A_283, %swap3A_284, %swap3A_285, %swap3A_286] : memref<1x2x2x16x12768xf32, #tpu.memory_space<vmem>>, vector<1x1x1x16x12768xf32>
    %swap3A_288 = vector.shape_cast %swap3A_287 : vector<1x1x1x16x12768xf32> to vector<16x12768xf32>
    %swap3A_289 = vector.shape_cast %max3A_281 : vector<16x12768xf32> to vector<1x1x1x16x12768xf32>
    tpu.vector_store %arg4[%swap3A_282, %swap3A_283, %swap3A_284, %swap3A_285, %swap3A_286], %swap3A_289 {strides = array<i32>} : memref<1x2x2x16x12768xf32, #tpu.memory_space<vmem>>, vector<1x1x1x16x12768xf32>,
    return
  }
  func.func @transform_0(%arg0: i32) -> (i32, i32, i32) {
    %c0_i32 = arith.constant 0 : i32
    %c0_i32_0 = arith.constant 0 : i32
    %c0_i32_1 = arith.constant 0 : i32
    return %arg0, %c0_i32, %c0_i32_0 : i32, i32, i32
  }
  func.func @transform_1(%arg0: i32) -> (i32, i32, i32, i32) {
    %c0_i32 = arith.constant 0 : i32
    %c0_i32_0 = arith.constant 0 : i32
    %c0_i32_1 = arith.constant 0 : i32
    %c0_i32_2 = arith.constant 0 : i32
    %c0_i32_3 = arith.constant 0 : i32
    return %c0_i32, %c0_i32_0, %c0_i32_1, %c0_i32_2 : i32, i32, i32, i32
  }
  func.func @transform_2(%arg0: i32) -> (i32, i32) {
    %c0_i32 = arith.constant 0 : i32
    %c0_i32_0 = arith.constant 0 : i32
    %c0_i32_1 = arith.constant 0 : i32
    return %c0_i32, %c0_i32_0 : i32, i32
  }
  func.func @transform_3(%arg0: i32) -> (i32, i32, i32, i32, i32) {
    %c0_i32 = arith.constant 0 : i32
    %c0_i32_0 = arith.constant 0 : i32
    %c0_i32_1 = arith.constant 0 : i32
    %c0_i32_2 = arith.constant 0 : i32
    %c0_i32_3 = arith.constant 0 : i32
    return %arg0, %c0_i32, %c0_i32_0, %c0_i32_1, %c0_i32_2 : i32, i32, i32, i32, i32
  }
}

module attributes {stable_mosaic.version = 14 : i64} {
  func.func @body(%arg0: i32, %arg1: memref<1x16x51084xf32, #tpu.memory_space<vmem>>, %arg2: memref<3x144xf32, #tpu.memory_space<vmem>>, %arg3: memref<3x1xf32, #tpu.memory_space<vmem>>, %arg4: memref<1x3x50624xf32, #tpu.memory_space<vmem>>) attributes {dimension_semantics = [#tpu.dimension_semantics<arbitrary>], iteration_bounds = array<i64: 4>, scalar_prefetch = 0 : i64, scratch_operands = 0 : i64, tpu.core_type = #tpu.core_type<tc>, window_params = [{transform_indices = @transform_0, window_bounds = array<i64: 1, 16, 51084>}, {pipeline_mode = #tpu.pipeline_mode<synchronous>, transform_indices = @transform_1, window_bounds = array<i64: 3, 144>}, {pipeline_mode = #tpu.pipeline_mode<synchronous>, transform_indices = @transform_2, window_bounds = array<i64: 3, 1>}, {transform_indices = @transform_3, window_bounds = array<i64: 1, 3, 50624>}]} {
    %get3A = arith.constant 0 : index
    %get3A_0 = arith.constant 0 : index
    %get3A_1 = arith.constant 0 : index
    %get3A_2 = vector.load %arg1[%get3A, %get3A_0, %get3A_1] : memref<1x16x51084xf32, #tpu.memory_space<vmem>>, vector<1x16x50624xf32>
    %get3A_3 = vector.shape_cast %get3A_2 : vector<1x16x50624xf32> to vector<16x50624xf32>
    %get3A_4 = arith.constant 0 : index
    %get3A_5 = arith.constant 0 : index
    %get3A_6 = arith.constant 1 : index
    %get3A_7 = vector.load %arg1[%get3A_4, %get3A_5, %get3A_6] : memref<1x16x51084xf32, #tpu.memory_space<vmem>>, vector<1x16x50624xf32>
    %get3A_8 = vector.shape_cast %get3A_7 : vector<1x16x50624xf32> to vector<16x50624xf32>
    %get3A_9 = arith.constant 0 : index
    %get3A_10 = arith.constant 0 : index
    %get3A_11 = arith.constant 2 : index
    %get3A_12 = vector.load %arg1[%get3A_9, %get3A_10, %get3A_11] : memref<1x16x51084xf32, #tpu.memory_space<vmem>>, vector<1x16x50624xf32>
    %get3A_13 = vector.shape_cast %get3A_12 : vector<1x16x50624xf32> to vector<16x50624xf32>
    %get3A_14 = arith.constant 0 : index
    %get3A_15 = arith.constant 0 : index
    %get3A_16 = arith.constant 226 : index
    %get3A_17 = vector.load %arg1[%get3A_14, %get3A_15, %get3A_16] : memref<1x16x51084xf32, #tpu.memory_space<vmem>>, vector<1x16x50624xf32>
    %get3A_18 = vector.shape_cast %get3A_17 : vector<1x16x50624xf32> to vector<16x50624xf32>
    %get3A_19 = arith.constant 0 : index
    %get3A_20 = arith.constant 0 : index
    %get3A_21 = arith.constant 227 : index
    %get3A_22 = vector.load %arg1[%get3A_19, %get3A_20, %get3A_21] : memref<1x16x51084xf32, #tpu.memory_space<vmem>>, vector<1x16x50624xf32>
    %get3A_23 = vector.shape_cast %get3A_22 : vector<1x16x50624xf32> to vector<16x50624xf32>
    %get3A_24 = arith.constant 0 : index
    %get3A_25 = arith.constant 0 : index
    %get3A_26 = arith.constant 228 : index
    %get3A_27 = vector.load %arg1[%get3A_24, %get3A_25, %get3A_26] : memref<1x16x51084xf32, #tpu.memory_space<vmem>>, vector<1x16x50624xf32>
    %get3A_28 = vector.shape_cast %get3A_27 : vector<1x16x50624xf32> to vector<16x50624xf32>
    %get3A_29 = arith.constant 0 : index
    %get3A_30 = arith.constant 0 : index
    %get3A_31 = arith.constant 452 : index
    %get3A_32 = vector.load %arg1[%get3A_29, %get3A_30, %get3A_31] : memref<1x16x51084xf32, #tpu.memory_space<vmem>>, vector<1x16x50624xf32>
    %get3A_33 = vector.shape_cast %get3A_32 : vector<1x16x50624xf32> to vector<16x50624xf32>
    %get3A_34 = arith.constant 0 : index
    %get3A_35 = arith.constant 0 : index
    %get3A_36 = arith.constant 453 : index
    %get3A_37 = vector.load %arg1[%get3A_34, %get3A_35, %get3A_36] : memref<1x16x51084xf32, #tpu.memory_space<vmem>>, vector<1x16x50624xf32>
    %get3A_38 = vector.shape_cast %get3A_37 : vector<1x16x50624xf32> to vector<16x50624xf32>
    %get3A_39 = arith.constant 0 : index
    %get3A_40 = arith.constant 0 : index
    %get3A_41 = arith.constant 454 : index
    %get3A_42 = vector.load %arg1[%get3A_39, %get3A_40, %get3A_41] : memref<1x16x51084xf32, #tpu.memory_space<vmem>>, vector<1x16x50624xf32>
    %get3A_43 = vector.shape_cast %get3A_42 : vector<1x16x50624xf32> to vector<16x50624xf32>
    %concatenate3A = tpu.concatenate %get3A_3, %get3A_8, %get3A_13, %get3A_18, %get3A_23, %get3A_28, %get3A_33, %get3A_38, %get3A_43 in 0 : vector<16x50624xf32>, vector<16x50624xf32>, vector<16x50624xf32>, vector<16x50624xf32>, vector<16x50624xf32>, vector<16x50624xf32>, vector<16x50624xf32>, vector<16x50624xf32>, vector<16x50624xf32> -> vector<144x50624xf32>
    %get3A_44 = arith.constant 0 : index
    %get3A_45 = arith.constant 0 : index
    %get3A_46 = vector.load %arg2[%get3A_44, %get3A_45] : memref<3x144xf32, #tpu.memory_space<vmem>>, vector<3x144xf32>
    %dot_general3A = arith.constant dense<0.000000e+00> : vector<3x50624xf32>
    %dot_general3A_47 = tpu.matmul %get3A_46, %concatenate3A, %dot_general3A {dimension_numbers = #tpu.dot_dimension_numbers<[1], [0], [0], [1], [0, 0, 1, 1], [], []>, transpose_lhs_hint = false} : vector<3x144xf32>, vector<144x50624xf32>, vector<3x50624xf32> -> vector<3x50624xf32>
    %get3A_48 = arith.constant 0 : index
    %get3A_49 = arith.constant 0 : index
    %get3A_50 = vector.load %arg3[%get3A_48, %get3A_49] : memref<3x1xf32, #tpu.memory_space<vmem>>, vector<3x1xf32>
    %add3A = vector.broadcast %get3A_50 : vector<3x1xf32> to vector<3x50624xf32>
    %add3A_51 = arith.addf %dot_general3A_47, %add3A : vector<3x50624xf32>
    %swap3A = arith.constant 0 : index
    %swap3A_52 = arith.constant 0 : index
    %swap3A_53 = arith.constant 0 : index
    %swap3A_54 = vector.load %arg4[%swap3A, %swap3A_52, %swap3A_53] : memref<1x3x50624xf32, #tpu.memory_space<vmem>>, vector<1x3x50624xf32>
    %swap3A_55 = vector.shape_cast %swap3A_54 : vector<1x3x50624xf32> to vector<3x50624xf32>
    %swap3A_56 = vector.shape_cast %add3A_51 : vector<3x50624xf32> to vector<1x3x50624xf32>
    tpu.vector_store %arg4[%swap3A, %swap3A_52, %swap3A_53], %swap3A_56 {strides = array<i32>} : memref<1x3x50624xf32, #tpu.memory_space<vmem>>, vector<1x3x50624xf32>,
    return
  }
  func.func @transform_0(%arg0: i32) -> (i32, i32, i32) {
    %c0_i32 = arith.constant 0 : i32
    %c0_i32_0 = arith.constant 0 : i32
    %c0_i32_1 = arith.constant 0 : i32
    return %arg0, %c0_i32, %c0_i32_0 : i32, i32, i32
  }
  func.func @transform_1(%arg0: i32) -> (i32, i32) {
    %c0_i32 = arith.constant 0 : i32
    %c0_i32_0 = arith.constant 0 : i32
    %c0_i32_1 = arith.constant 0 : i32
    return %c0_i32, %c0_i32_0 : i32, i32
  }
  func.func @transform_2(%arg0: i32) -> (i32, i32) {
    %c0_i32 = arith.constant 0 : i32
    %c0_i32_0 = arith.constant 0 : i32
    %c0_i32_1 = arith.constant 0 : i32
    return %c0_i32, %c0_i32_0 : i32, i32
  }
  func.func @transform_3(%arg0: i32) -> (i32, i32, i32) {
    %c0_i32 = arith.constant 0 : i32
    %c0_i32_0 = arith.constant 0 : i32
    %c0_i32_1 = arith.constant 0 : i32
    return %arg0, %c0_i32, %c0_i32_0 : i32, i32, i32
  }
}

</mosaic_0001>

<sc_bundles>
// kernel: kernel.10.cloned.1.call-start
scs
__scs_entry_jumppad:
0x0: {  	(pc) =	sbr.rel $0x88, $3  }
0x1: {  	(tag) =	ssettag $0x0;
	lr =	simm.s32 $0x1  }
0x2: {  	[smem:$0x3F93] =	sst lr;
	_ =	strace $0xD0000000  }
0x3: {  	_ = 	snop  }
0x4: {  	_ = 	snop  }
0x5: {  	_ = 	snop  }
0x6: {  	_ = 	snop  }
0x7: {  	_ = 	snop  }
__scs_overlays_trampoline_lowered:
0x8: {  	[smem:$0x3FA2] =	sst s0  }
0x9: {  	[smem:$0x3FA3] =	sst s1  }
0xa: {  	[smem:$0x3FA4] =	sst s2  }
0xb: {  	[smem:$0x3FA5] =	sst s3  }
0xc: {  	[smem:$0x3FA6] =	sst s4  }
0xd: {  	[smem:$0x3FA7] =	sst s5  }
0xe: {  	[smem:$0x3FA8] =	sst s6  }
0xf: {  	[smem:$0x3FA9] =	sst s7  }
0x10: {  	[smem:$0x3FAA] =	sst s8  }
0x11: {  	[smem:$0x3FAB] =	sst s9;
	s0 =	simm.s32 @!p0 $0x0  }
0x12: {  	s1 =	sld [smem:$0x3F91];
	s0 =	simm.s32 @p0 $0x1  }
0x13: {  	[smem:$0x3FAC] =	sst s0;
	s0 =	simm.s32 @!p1 $0x0  }
0x14: {  	s2 =	sld [smem:$0x3F90];
	s0 =	simm.s32 @p1 $0x1  }
0x15: {  	[smem:$0x3FAD] =	sst s0;
	s0 =	simm.s32 @!p2 $0x0  }
0x16: {  	s3 =	sld [smem:$0x3FDB];
	s0 =	simm.s32 @p2 $0x1  }
0x17: {  	s4 =	simm.s32 $0x1BF5;
	[smem:$0x3FAF] =	sst s0  }
0x18: {  	s0 =	sld [smem:$0x3F92];
	_ =	swait.ge [sflag:s4], $0x0  }
0x19: {  	s7 =	sld [smem:$0x3F93]  }
0x1a: {  	s8 =	sadd.s32 $0xFFFFE003, lr  }
0x1b: {  	s9 =	sadd.s32 $0xFFFFFEF7, lr;
	s5 =	simm.s32 $0xFFFFFFFF;
	p2 =	slt.u32 s8, $0xFFFFF086  }
0x1c: {  	p1 =	slt.u32 s9, $0xF7A;
	s5 =	simm.s32 @!p2 $0x0  }
0x1d: {  	s5 =	simm.s32 @p1 $0x1;
	p0 =	seq.s32 s7, s2  }
0x1e: {  	s7 =	smul.u32 @!p0 $0xF7A, s2;
	p2 =	seq.s32 @!p0 s5, $0x0  }
0x1f: {  	s9 =	smul.u32 $0xF7A, s1;
	s8 =	simm.s32 @!p0 $0x1BF5;
	p2 =	por !p2, p0  }
0x20: {  	[sflag:s8] =	ssyncset.s32 @!p0 $0xFFFFF086;
	s6 =	sadd.s32 @!p0 s3, s7;
	s7 =	simm.s32 @!p0 $0x108  }
0x21: {  	s3 =	sadd.s32 s3, s9;
	s6 =	sadd.s32 @!p0 $0x88, s6;
	s7 =	simm.s32 @p2 $0x1082  }
0x22: {  	[simem:s7], [sflag:s8] =	dma.local @!p0 [hbm:s6], $0xF7A  }
0x23: {  	s9 =	sor.u32 $0xD0000000, s2;
	s6 =	simm.s32 $0x108;
	_ =	swait.ge @!p0 [sflag:s8], $0x0  }
0x24: {  	s3 =	sadd.s32 $0x88, s3;
	s6 =	simm.s32 @!p1 $0x1082;
	[sflag:s4] =	ssyncset.s32 $0xFFFFF086  }
0x25: {  	[simem:s6], [sflag:s4] =	dma.local [hbm:s3], $0xF7A  }
0x26: {  	[smem:$0x3F93] =	sst s1;
	(tag) =	ssettag s2;
	_ =	strace s9  }
0x27: {  	s1 =	sld [smem:$0x3FA3]  }
0x28: {  	s2 =	sld [smem:$0x3FA4]  }
0x29: {  	s4 =	sld [smem:$0x3FA6]  }
0x2a: {  	p0 =	seq.s32 s5, $0x0;
	s5 =	sld [smem:$0x3FA7]  }
0x2b: {  	s6 =	sld [smem:$0x3FA8]  }
0x2c: {  	s7 =	sld [smem:$0x3FA9]  }
0x2d: {  	s3 =	simm.s32 $0x108;
	s8 =	sld [smem:$0x3FAA]  }
0x2e: {  	s3 =	simm.s32 @!p0 $0x1082;
	s9 =	sld [smem:$0x3FAB]  }
0x2f: {  	lr =	sadd.s32 s0, s3;
	s0 =	sld [smem:$0x3FA2]  }
0x30: {  	s3 =	sld [smem:$0x3FA5]  }
0x31: {  	[smem:$0x3FAE] =	sst s10  }
0x32: {  	s10 =	sld [smem:$0x3FAC];
	_ =	sdelay $0x3  }
0x33: {  	p0 =	seq.s32 s10, $0x1;
	s10 =	sld [smem:$0x3FAE];
	_ =	sdelay $0x3  }
0x34: {  	[smem:$0x3FAE] =	sst s10  }
0x35: {  	s10 =	sld [smem:$0x3FAD];
	_ =	sdelay $0x3  }
0x36: {  	p1 =	seq.s32 s10, $0x1;
	s10 =	sld [smem:$0x3FAE];
	_ =	sdelay $0x3  }
0x37: {  	[smem:$0x3FAE] =	sst s10  }
0x38: {  	s10 =	sld [smem:$0x3FAF]  }
0x39: {  	_ = 	snop;
	(pc) =	sbr.ind lr, $3  }
0x3a: {  	_ = 	snop  }
0x3b: {  	_ = 	snop  }
0x3c: {  	p2 =	seq.s32 s10, $0x1;
	s10 =	sld [smem:$0x3FAE]  }
0x3d: {  	_ =	shalt  }
0x3e: {  	_ =	shalt  }
0x3f: {  	_ =	shalt  }
0x40: {  	_ =	shalt  }
0x41: {  	_ =	shalt  }
0x42: {  	_ =	shalt  }
0x43: {  	_ =	shalt  }
0x44: {  	_ =	shalt  }
0x45: {  	_ =	shalt  }
0x46: {  	_ =	shalt  }
0x47: {  	_ =	shalt  }
0x48: {  	_ =	shalt  }
0x49: {  	_ =	shalt  }
0x4a: {  	_ =	shalt  }
0x4b: {  	_ =	shalt  }
0x4c: {  	_ =	shalt  }
0x4d: {  	_ =	shalt  }
0x4e: {  	_ =	shalt  }
0x4f: {  	_ =	shalt  }
0x50: {  	_ =	shalt  }
0x51: {  	_ =	shalt  }
0x52: {  	_ =	shalt  }
0x53: {  	_ =	shalt  }
0x54: {  	_ =	shalt  }
0x55: {  	_ =	shalt  }
0x56: {  	_ =	shalt  }
0x57: {  	_ =	shalt  }
0x58: {  	_ =	shalt  }
0x59: {  	_ =	shalt  }
0x5a: {  	_ =	shalt  }
0x5b: {  	_ =	shalt  }
0x5c: {  	_ =	shalt  }
0x5d: {  	_ =	shalt  }
0x5e: {  	_ =	shalt  }
0x5f: {  	_ =	shalt  }
0x60: {  	_ =	shalt  }
0x61: {  	_ =	shalt  }
0x62: {  	_ =	shalt  }
0x63: {  	_ =	shalt  }
0x64: {  	_ =	shalt  }
0x65: {  	_ =	shalt  }
0x66: {  	_ =	shalt  }
0x67: {  	_ =	shalt  }
0x68: {  	_ =	shalt  }
0x69: {  	_ =	shalt  }
0x6a: {  	_ =	shalt  }
0x6b: {  	_ =	shalt  }
0x6c: {  	_ =	shalt  }
0x6d: {  	_ =	shalt  }
0x6e: {  	_ =	shalt  }
0x6f: {  	_ =	shalt  }
0x70: {  	_ =	shalt  }
0x71: {  	_ =	shalt  }
0x72: {  	_ =	shalt  }
0x73: {  	_ =	shalt  }
0x74: {  	_ =	shalt  }
0x75: {  	_ =	shalt  }
0x76: {  	_ =	shalt  }
0x77: {  	_ =	shalt  }
0x78: {  	_ =	shalt  }
0x79: {  	_ =	shalt  }
0x7a: {  	_ =	shalt  }
0x7b: {  	_ =	shalt  }
0x7c: {  	_ =	shalt  }
0x7d: {  	_ =	shalt  }
0x7e: {  	_ =	shalt  }
0x7f: {  	_ =	shalt  }
0x80: {  	_ =	shalt  }
0x81: {  	_ =	shalt  }
0x82: {  	_ =	shalt  }
0x83: {  	_ =	shalt  }
0x84: {  	_ =	shalt  }
0x85: {  	_ =	shalt  }
0x86: {  	_ =	shalt  }
0x87: {  	_ =	shalt  }
.Lfunc_end0:
.L_simem_size_0:
called_computation_lowered:
.L_overlay_start_0:
0x88: {  	s2 =	sld [smem:$0x3FD9]  }
0x89: {  	s3 =	sld [smem:$0x3FFE];
	_ =	sdelay $0x1  }
0x8a: {  	s1 =	srdreg.scid  }
0x8b: {  	s0 =	sand.u32 $0x1, s1  }
0x8c: {  	s14 =	sshll.u32 s0, $0xA;
	s2 =	sadd.s32 s3, s2  }
0x8d: {  	s2 =	sadd.s32 s2, s14  }
0x8e: {  	[smem:$0x3FBA] =	sst s2  }
0x8f: {  	_ = 	snop  }
0x90: {  	s2 =	sld [smem:$0x3FD0];
	_ =	sdelay $0x2  }
0x91: {  	s15 =	simm.s32 $0xA;
	s4 =	simm.s32 $0x10  }
0x92: {  	[smem:s4], [sflag:s15] =	dma.local [hbm:s2], $0x1  }
0x93: {  	_ =	swait.eq [sflag:s15], $0x1  }
0x94: {  	[sflag:s15] =	ssyncset.done $0x0  }
0x95: {  	s16 =	sld [smem:$0x10];
	[sflag:s15] =	ssyncadd.s32 $0xFFFFFFFF  }
0x96: {  	s17 =	sld [smem:$0x12];
	(tm) =	ssettm $0x1  }
0x97: {  	s18 =	sld [smem:$0x3FFB];
	_ =	sdelay $0x3  }
0x98: {  	_ =	strace s18  }
0x99: {  	s4 =	sld [smem:$0x3FFC];
	_ =	sdelay $0x3  }
0x9a: {  	_ =	strace s4  }
0x9b: {  	s4 =	sld [smem:$0x3FFD];
	_ =	sdelay $0x3  }
0x9c: {  	_ =	strace s4  }
0x9d: {  	_ =	strace $0x8FFFFFFF  }
0x9e: {  	s19 =	sld [smem:$0x3FDB];
	_ =	sdelay $0x1  }
0x9f: {  	s5 =	simm.s32 $_scs_section_size  }
0xa0: {  	s6 =	simm.s32 $_size__tile_overlayer_lowered;
	s7 =	simm.s32 $_tile_overlayer_lowered  }
0xa1: {  	s22 =	simm.s32 $0x1BFF;
	s21 =	sshll.u32 s7, $0x1;
	s4 =	sadd.s32 s5, s19  }
0xa2: {  	s8 =	simm.s32 $0x0;
	s20 =	sshll.u32 s6, $0x1;
	s6 =	sadd.s32 s21, s4  }
0xa3: {  	[timem:s8], [sflag:s22] =	dma.local [hbm:s6], s20  }
0xa4: {  	_ =	swait.ge [sflag:s22], s20  }
0xa5: {  	s5 =	ssub.s32 $0x0, s20;
	[sflag:s22] =	ssyncset.done $0x0  }
0xa6: {  	[sflag:s22] =	ssyncadd.s32 s5;
	_ =	sdelay $0x1  }
0xa7: {  	s23 =	simm.s32 $0x1B8B  }
0xa8: {  	_ =	swait.ge [sflag:s23], $0x1  }
0xa9: {  	[sflag:s23] =	ssyncset.done $0x0  }
0xaa: {  	s25 =	simm.s32 $0x1B8E;
	s24 =	sld [smem:$0x3FFE];
	[sflag:s23] =	ssyncadd.s32 $0xFFFFFFFF  }
0xab: {  	s26 =	simm.s32 $execute0_lowered;
	[smem:$0x3FD2] =	sst s25  }
0xac: {  	s6 =	sshll.u32 s26, $0x1;
	_ =	strace $0x80000046;
	[dreg:$0x1] =	wrdreg $0xFFFFFFFF  }
0xad: {  	s28 =	simm.s32 $_size_execute0_lowered;
	s4 =	sadd.s32 s4, s6;
	[dreg:$0x0] =	wrdreg $0x0  }
0xae: {  	s6 =	sshll.u32 s28, $0x1;
	[dreg:$0x2] =	wrdreg s4  }
0xaf: {  	[dreg:$0x3] =	wrdreg s6  }
0xb0: {  	[dreg:$0x4] =	wrdreg $0xC0  }
0xb1: {  	_ =	task [dreg:s8], $0x5FFFF  }
0xb2: {  	[dreg:$0x1] =	wrdreg $0xFFFFFFFF  }
0xb3: {  	[dreg:$0x0] =	wrdreg $0x60  }
0xb4: {  	[dreg:$0x2] =	wrdreg s24  }
0xb5: {  	[dreg:$0x3] =	wrdreg s16  }
0xb6: {  	[dreg:$0x4] =	wrdreg s17  }
0xb7: {  	[dreg:$0x5] =	wrdreg $0x9  }
0xb8: {  	_ =	task.clear_ibuf [dreg:s8], $0x6FFFF;
	_ =	strace $0x90000046  }
0xb9: {  	s29 =	simm.s32 $0x9;
	_ =	strace $0x80000048  }
0xba: {  	_ =	swait.ge [sflag:s29], $0x1  }
0xbb: {  	[sflag:s29] =	ssyncadd.s32 $0xFFFFFFFF  }
0xbc: {  	_ =	strace $0x90000048  }
0xbd: {  	_ =	sfence  }
0xbe: {  	s30 =	sld [smem:$0x0];
	_ =	sdelay $0x2  }
0xbf: {  	s31 =	sshll.u32 s1, $0xD;
	s1 =	sshrl.u32 s1, $0x2  }
0xc0: {  	s3 =	sand.u32 $0x4000, s31;
	s1 =	sadd.s32 s1, s30  }
0xc1: {  	s0 =	sor.u32 s3, s0;
	s1 =	sshll.u32 s1, $0x11  }
0xc2: {  	s0 =	sor.u32 s1, s0  }
0xc3: {  	s0 =	sadd.s32 $0x8F2B, s0  }
0xc4: {  	[sflag:s0] =	ssyncadd.remote.s32 $0x1  }
0xc5: {  	_ =	sfence.sel $0xFFFF  }
0xc6: {  	[dreg:$0x0] =	wrdreg $0xFFFFFFFF;
	(pc) =	sbr.abs _section_cstart, $3  }
0xc7: {  	[dreg:$0x1] =	wrdreg $0xFFFFFFFF  }
0xc8: {  	_ =	task.clear_ibuf [dreg:s8], $0x2FFFF;
	_ =	strace $0x9FFFFFFF  }
0xc9: {  	(tm) =	ssettm $0x7FFFFFFF  }
tec
execute0_lowered:
.L_overlay_start_1:
0x0: {  	(tag) =	ssettag $0x1  }
0x1: {  	s5 =	rddreg [dreg:$0x0]  }
0x2: {  	s1 =	srdreg.scid;
	s0 =	stileid.u32  }
0x3: {  	s3 =	rddreg [dreg:$0x1];
	s20 =	sand.u32 $0x1, s1;
	s30 =	sshll.u32 s0, $0x1  }
0x4: {  	s21 =	rddreg [dreg:$0x2];
	s22 =	sor.u32 s20, s30  }
0x5: {  	s2 =	simm.s32 $0x0;
	s1 =	rddreg [dreg:$0x3];
	s4 =	smul.u32 $0x31, s22  }
0x6: {  	[smem:$0x7FF] =	sst s2  }
0x7: {  	_ =	strace $0x80000047;
	s4 =	sadd.s32 s3, s4;
	s3 =	simm.s32 $0x2  }
0x8: {  	[tilespmem:s2], [sflag:$0x2] =	stream.linear.gather [hbm4b:s4+s2], $0x188, $0x38;
	[tilespmem:$0xC600] =	vst v63  }
0x9: {  	_ =	swait.ge [sflag:s3], $0x188  }
0xa: {  	s6 =	simm.s32 $0x38;
	[sflag:s3] =	ssyncset.done $0x0  }
0xb: {  	s7 =	simm.s32 $0x200;
	s5 =	sadd.s32 $0x2400, s5;
	[sflag:s3] =	ssyncadd.s32 $0xFFFFFE78  }
0xc: {  	[tilespmem:s7], [sflag:$0x1] =	stream.indirect.gather [hbm4b:s5+s6], $0x80, s2, s6, $0xb8;
	[tilespmem:$0xC600] =	vst v63  }
0xd: {  	s8 =	simm.s32 $0x1E00  }
0xe: {  	[tilespmem:s8], [sflag:$0x1] =	stream.indirect.gather [hbm4b:s5+s6], $0x80, s6, s6, $0xb8;
	[tilespmem:$0xC600] =	vst v63  }
0xf: {  	s9 =	simm.s32 $0x70;
	s10 =	simm.s32 $0x3A00  }
0x10: {  	[tilespmem:s10], [sflag:$0x1] =	stream.indirect.gather [hbm4b:s5+s6], $0x80, s9, s6, $0xb8;
	[tilespmem:$0xC600] =	vst v63  }
0x11: {  	s11 =	simm.s32 $0xA8;
	s12 =	simm.s32 $0x5600  }
0x12: {  	[tilespmem:s12], [sflag:$0x1] =	stream.indirect.gather [hbm4b:s5+s6], $0x80, s11, s6, $0xb8;
	[tilespmem:$0xC600] =	vst v63  }
0x13: {  	s13 =	simm.s32 $0xE0;
	s14 =	simm.s32 $0x7200  }
0x14: {  	[tilespmem:s14], [sflag:$0x1] =	stream.indirect.gather [hbm4b:s5+s6], $0x80, s13, s6, $0xb8;
	[tilespmem:$0xC600] =	vst v63  }
0x15: {  	s15 =	simm.s32 $0x118;
	s16 =	simm.s32 $0x8E00  }
0x16: {  	[tilespmem:s16], [sflag:$0x1] =	stream.indirect.gather [hbm4b:s5+s6], $0x80, s15, s6, $0xb8;
	[tilespmem:$0xC600] =	vst v63  }
0x17: {  	s17 =	simm.s32 $0x150;
	s18 =	simm.s32 $0xAA00;
	s19 =	simm.s32 $0x1  }
0x18: {  	[tilespmem:s18], [sflag:$0x1] =	stream.indirect.gather [hbm4b:s5+s6], $0x80, s17, s6, $0xb8;
	[tilespmem:$0xC600] =	vst v63  }
0x19: {  	_ =	swait.ge [sflag:s19], $0x1C00  }
0x1a: {  	[sflag:s19] =	ssyncset.done $0x0  }
0x1b: {  	[sflag:s19] =	ssyncadd.s32 $0xFFFFE400  }
0x1c: {  	_ =	swait.ge [sflag:s19], $0x1C00  }
0x1d: {  	[sflag:s19] =	ssyncset.done $0x0  }
0x1e: {  	[sflag:s19] =	ssyncadd.s32 $0xFFFFE400  }
0x1f: {  	_ =	swait.ge [sflag:s19], $0x1C00  }
0x20: {  	[sflag:s19] =	ssyncset.done $0x0  }
0x21: {  	[sflag:s19] =	ssyncadd.s32 $0xFFFFE400  }
0x22: {  	_ =	swait.ge [sflag:s19], $0x1C00  }
0x23: {  	[sflag:s19] =	ssyncset.done $0x0  }
0x24: {  	[sflag:s19] =	ssyncadd.s32 $0xFFFFE400  }
0x25: {  	_ =	swait.ge [sflag:s19], $0x1C00  }
0x26: {  	[sflag:s19] =	ssyncset.done $0x0  }
0x27: {  	s20 =	ssub.s32 $0x2, s20;
	[sflag:s19] =	ssyncadd.s32 $0xFFFFE400  }
0x28: {  	s23 =	sshrl.u32 s20, $0x1;
	_ =	swait.ge [sflag:s19], $0x1C00  }
0x29: {  	s23 =	ssub.s32 s20, s23;
	[sflag:s19] =	ssyncset.done $0x0  }
0x2a: {  	s31 =	smax.u32 s23, $0x1;
	[sflag:s19] =	ssyncadd.s32 $0xFFFFE400  }
0x2b: {  	s22 =	smul.u32 $0x1880, s22;
	p0 =	sne.s32 s31, $0x1;
	_ =	swait.ge [sflag:s19], $0x1C00  }
.Ltmp0:
0x2c: {  	[sflag:s19] =	ssyncset.done $0x0;
	(pc) =	sbr.rel @!p0 .LBB2_2-.Ltmp0, $4  }
0x2d: {  	s20 =	sadd.s32 s21, s22;
	[sflag:s19] =	ssyncadd.s32 $0xFFFFE400  }
0x2e: {  	[hbm4b:s20+s2] =	stream.linear.scatter [tilespmem:s7], [sflag:$0x2], $0xC400, $0x38;
	[tilespmem:$0xC600] =	vst v63  }
0x2f: {  	_ =	swait.ge [sflag:s3], $0xC400  }
0x30: {  	s21 =	sadd.s32 $0xFFFFFFFF, s31;
	[sflag:s3] =	ssyncset.done $0x0  }
.LBB2_1:
0x31: {  	p0 =	sne.s32 s21, $0x1;
	s21 =	sadd.s32 $0xFFFFFFFF, s21;
	[sflag:s3] =	ssyncadd.s32 $0xFFFF3C00  }
0x32: {  	[tilespmem:s2], [sflag:$0x2] =	stream.linear.gather [hbm4b:s4+s2], $0x188, $0x38;
	[tilespmem:$0xC600] =	vst v63  }
0x33: {  	_ =	swait.ge [sflag:s3], $0x188  }
0x34: {  	[sflag:s3] =	ssyncset.done $0x0  }
0x35: {  	[sflag:s3] =	ssyncadd.s32 $0xFFFFFE78  }
0x36: {  	[tilespmem:s7], [sflag:$0x1] =	stream.indirect.gather [hbm4b:s5+s6], $0x80, s2, s6, $0xb8;
	[tilespmem:$0xC600] =	vst v63  }
0x37: {  	_ = 	snop  }
0x38: {  	[tilespmem:s8], [sflag:$0x1] =	stream.indirect.gather [hbm4b:s5+s6], $0x80, s6, s6, $0xb8;
	[tilespmem:$0xC600] =	vst v63  }
0x39: {  	_ = 	snop  }
0x3a: {  	[tilespmem:s10], [sflag:$0x1] =	stream.indirect.gather [hbm4b:s5+s6], $0x80, s9, s6, $0xb8;
	[tilespmem:$0xC600] =	vst v63  }
0x3b: {  	_ = 	snop  }
0x3c: {  	[tilespmem:s12], [sflag:$0x1] =	stream.indirect.gather [hbm4b:s5+s6], $0x80, s11, s6, $0xb8;
	[tilespmem:$0xC600] =	vst v63  }
0x3d: {  	_ = 	snop  }
0x3e: {  	[tilespmem:s14], [sflag:$0x1] =	stream.indirect.gather [hbm4b:s5+s6], $0x80, s13, s6, $0xb8;
	[tilespmem:$0xC600] =	vst v63  }
0x3f: {  	_ = 	snop  }
0x40: {  	[tilespmem:s16], [sflag:$0x1] =	stream.indirect.gather [hbm4b:s5+s6], $0x80, s15, s6, $0xb8;
	[tilespmem:$0xC600] =	vst v63  }
0x41: {  	_ = 	snop  }
0x42: {  	[tilespmem:s18], [sflag:$0x1] =	stream.indirect.gather [hbm4b:s5+s6], $0x80, s17, s6, $0xb8;
	[tilespmem:$0xC600] =	vst v63  }
0x43: {  	_ =	swait.ge [sflag:s19], $0x1C00  }
0x44: {  	[sflag:s19] =	ssyncset.done $0x0  }
0x45: {  	[sflag:s19] =	ssyncadd.s32 $0xFFFFE400  }
0x46: {  	_ =	swait.ge [sflag:s19], $0x1C00  }
0x47: {  	[sflag:s19] =	ssyncset.done $0x0  }
0x48: {  	[sflag:s19] =	ssyncadd.s32 $0xFFFFE400  }
0x49: {  	_ =	swait.ge [sflag:s19], $0x1C00  }
0x4a: {  	[sflag:s19] =	ssyncset.done $0x0  }
0x4b: {  	[sflag:s19] =	ssyncadd.s32 $0xFFFFE400  }
0x4c: {  	_ =	swait.ge [sflag:s19], $0x1C00  }
0x4d: {  	[sflag:s19] =	ssyncset.done $0x0  }
0x4e: {  	[sflag:s19] =	ssyncadd.s32 $0xFFFFE400  }
0x4f: {  	_ =	swait.ge [sflag:s19], $0x1C00  }
0x50: {  	[sflag:s19] =	ssyncset.done $0x0  }
0x51: {  	[sflag:s19] =	ssyncadd.s32 $0xFFFFE400  }
0x52: {  	_ =	swait.ge [sflag:s19], $0x1C00  }
0x53: {  	[sflag:s19] =	ssyncset.done $0x0  }
0x54: {  	[sflag:s19] =	ssyncadd.s32 $0xFFFFE400  }
0x55: {  	_ =	swait.ge [sflag:s19], $0x1C00  }
.Ltmp1:
0x56: {  	[sflag:s19] =	ssyncset.done $0x0;
	(pc) =	sbr.rel @p0 .LBB2_1-.Ltmp1, $4  }
0x57: {  	[sflag:s19] =	ssyncadd.s32 $0xFFFFE400  }
0x58: {  	[hbm4b:s20+s2] =	stream.linear.scatter [tilespmem:s7], [sflag:$0x2], $0xC400, $0x38;
	[tilespmem:$0xC600] =	vst v63  }
0x59: {  	_ =	swait.ge [sflag:s3], $0xC400  }
0x5a: {  	[sflag:s3] =	ssyncset.done $0x0  }
.LBB2_2:
0x5b: {  	[sflag:s3] =	ssyncadd.s32 $0xFFFF3C00  }
0x5c: {  	_ =	sfence.sel $0x180000  }
0x5d: {  	[bflag:$0x0] =	sbarrier.arrive $0xFFFF  }
0x5e: {  	p0 =	sne.s32 s0, $0x0;
	_ =	strace $0x90000047  }
0x5f: {  	s0 =	sadd.s32 @!p0 $0x100000, s1;
	[bflag:$0x2] =	sbarrier.arrive $0xFFFF  }
0x60: {  	[sflag:s0] =	ssyncadd.tile.s32 @!p0 $0x1;
	_ =	shalt  }
.Lfunc_end2:
_tile_overlayer_lowered:
.L_overlay_start_2:
0x61: {  	(tag) =	ssettag $0x2  }
0x62: {  	s0 =	rddreg [dreg:$0x0];
	s2 =	stileid.u32  }
0x63: {  	s1 =	rddreg [dreg:$0x1];
	p0 =	sne.s32 s2, $0x0  }
0x64: {  	s3 =	rddreg [dreg:$0x2];
	[bflag:$0x3] =	sbarrier.arrive $0xFFFF;
	s2 =	simm.s32 @!p0 $0x1C02  }
0x65: {  	[timem:s3], [sflag:s2] =	dma.local @!p0 [hbm:s0], s1  }
0x66: {  	s0 =	simm.s32 @!p0 $0x2  }
0x67: {  	_ =	swait.ge @!p0 [sflag:s0], s1  }
0x68: {  	s1 =	ssub.s32 @!p0 $0x0, s1;
	[sflag:s0] =	ssyncset.done @!p0 $0x0  }
0x69: {  	[sflag:s0] =	ssyncadd.s32 @!p0 s1  }
0x6a: {  	[bflag:$0x3] =	sbarrier.arrive $0xFFFF  }
0x6b: {  	_ =	shalt  }

</sc_bundles>
